<compile_context>
chip_gen: v7x
topology: tpu7x:2x2x1
jax: 0.10.2.dev20260603
libtpu: 0.0.44.dev20260713+nightly
codegen_flags: <defaults>
</compile_context>

<pallas_src>
import functools

import jax
import jax.numpy as jnp
from jax.experimental import pallas as pl

K_TOP = 100
QB = 256
CB = 8192
GS_SUB = 64
E_EXTRACT = 6
SLOTS = 28
NEG_INF = float("-inf")
MIN_I32 = -2147483648


def _score_block(q_ref, c_ref):
    return jax.lax.dot_general(
        q_ref[...], c_ref[...],
        (((1,), (1,)), ((), ())),
        preferred_element_type=jnp.float32,
    )



def _masked_scores3(q_ref, c_ref, j, n_valid):
    s = _score_block(q_ref, c_ref)
    s3 = s.reshape(QB, GS_SUB, 128)
    sub_iota = jax.lax.broadcasted_iota(jnp.int32, (QB, GS_SUB, 128), 1)
    lane_iota3 = jax.lax.broadcasted_iota(jnp.int32, (QB, GS_SUB, 128), 2)
    gid3 = j * CB + sub_iota * 128 + lane_iota3
    return jnp.where(gid3 < n_valid, s3, NEG_INF), sub_iota


def _groupmax_body(q_ref, c_ref, o_ref, *, n_valid):
    j = pl.program_id(1)
    s3, _ = _masked_scores3(q_ref, c_ref, j, n_valid)
    o_ref[...] = jnp.max(s3, axis=1)



def _float_to_sortable_i32(x):
    b = jax.lax.bitcast_convert_type(x, jnp.int32)
    return jnp.where(b >= 0, b, b ^ jnp.int32(0x7FFFFFFF))


def _sortable_i32_to_float(s):
    b = jnp.where(s >= 0, s, s ^ jnp.int32(0x7FFFFFFF))
    return jax.lax.bitcast_convert_type(b, jnp.float32)


def _kth_body(gm_ref, o_ref):
    s = _float_to_sortable_i32(gm_ref[...])

    def round_fn(i, p):
        b = 31 - i
        test = p | (jnp.int32(1) << b)
        tst_s = test ^ MIN_I32
        cnt = jnp.sum((s >= tst_s).astype(jnp.int32), axis=1, keepdims=True)
        return jnp.where(cnt >= K_TOP, test, p)

    p = jax.lax.fori_loop(0, 32, round_fn, jnp.zeros((QB, 1), jnp.int32))
    o_ref[...] = jnp.broadcast_to(p ^ MIN_I32, (QB, 128))



def _extract_body(q_ref, c_ref, t_ref, v_ref, i_ref, n_ref, *, n_valid):
    j = pl.program_id(1)
    t = t_ref[...][:, :1]
    s3, sub_iota = _masked_scores3(q_ref, c_ref, j, n_valid)

    ge = (s3 >= t[:, :, None]).astype(jnp.int32)
    cnt_g = jnp.sum(ge, axis=1)
    blk_cnt = jnp.sum(cnt_g, axis=1, keepdims=True)
    max_g = jnp.max(cnt_g, axis=1, keepdims=True)

    lane_iota = jax.lax.broadcasted_iota(jnp.int32, (QB, 128), 1)

    vals = []
    ids = []
    work = s3
    for _ in range(E_EXTRACT):
        m = jnp.max(work, axis=1)
        eq = work == m[:, None, :]
        am = jnp.min(jnp.where(eq, sub_iota, GS_SUB), axis=1)
        gid = j * CB + am * 128 + lane_iota
        keep = m >= t
        vals.append(jnp.where(keep, m, NEG_INF))
        ids.append(jnp.where(keep, gid, 0))
        work = jnp.where(sub_iota == am[:, None, :], NEG_INF, work)

    V = jnp.concatenate(vals, axis=1)
    I = jnp.concatenate(ids, axis=1)
    stack_iota = jax.lax.broadcasted_iota(jnp.int32, (QB, E_EXTRACT * 128), 1)

    out_v = []
    out_i = []
    for _ in range(SLOTS):
        mx = jnp.max(V, axis=1, keepdims=True)
        eq = V == mx
        pos = jnp.min(jnp.where(eq, stack_iota, E_EXTRACT * 128),
                      axis=1, keepdims=True)
        hit = stack_iota == pos
        out_v.append(mx)
        out_i.append(jnp.sum(jnp.where(hit, I, 0), axis=1, keepdims=True))
        V = jnp.where(hit, NEG_INF, V)

    v_ref[...] = jnp.concatenate(out_v, axis=1)[None]
    i_ref[...] = jnp.concatenate(out_i, axis=1)[None]
    n_ref[...] = jnp.concatenate(
        [blk_cnt, max_g] + [jnp.zeros((QB, 1), jnp.int32)] * (SLOTS - 2),
        axis=1)[None]



def _full_score_body(q_ref, c_ref, o_ref):
    o_ref[...] = _score_block(q_ref, c_ref)


def _full_topk(queries, cand_padded, n_valid):
    Q, D = queries.shape
    Np = cand_padded.shape[0]
    scores = pl.pallas_call(
        _full_score_body,
        grid=(Q // QB, Np // CB),
        in_specs=[
            pl.BlockSpec((QB, D), lambda i, j: (i, 0)),
            pl.BlockSpec((CB, D), lambda i, j: (j, 0)),
        ],
        out_specs=pl.BlockSpec((QB, CB), lambda i, j: (i, j)),
        out_shape=jax.ShapeDtypeStruct((Q, Np), jnp.float32),
    )(queries, cand_padded)
    s, i = jax.lax.top_k(scores[:, :n_valid], K_TOP)
    return s, i.astype(jnp.int32)


def kernel(queries, candidates):
    Q, D = queries.shape
    N = candidates.shape[0]
    n_pad = (-N) % CB
    if n_pad:
        candidates = jnp.pad(candidates, ((0, n_pad), (0, 0)))
    Np = N + n_pad
    nblk = Np // CB
    G = Np // GS_SUB

    gmax = pl.pallas_call(
        functools.partial(_groupmax_body, n_valid=N),
        grid=(Q // QB, nblk),
        in_specs=[
            pl.BlockSpec((QB, D), lambda i, j: (i, 0)),
            pl.BlockSpec((CB, D), lambda i, j: (j, 0)),
        ],
        out_specs=pl.BlockSpec((QB, 128), lambda i, j: (i, j)),
        out_shape=jax.ShapeDtypeStruct((Q, G), jnp.float32),
    )(queries, candidates)

    kth_s = pl.pallas_call(
        _kth_body,
        grid=(Q // QB,),
        in_specs=[pl.BlockSpec((QB, G), lambda i: (i, 0))],
        out_specs=pl.BlockSpec((QB, 128), lambda i: (i, 0)),
        out_shape=jax.ShapeDtypeStruct((Q, 128), jnp.int32),
    )(gmax)

    thresh = _sortable_i32_to_float(kth_s[:, :1])
    thresh128 = jnp.broadcast_to(thresh, (Q, 128))

    vals, ids, cnts = pl.pallas_call(
        functools.partial(_extract_body, n_valid=N),
        grid=(Q // QB, nblk),
        in_specs=[
            pl.BlockSpec((QB, D), lambda i, j: (i, 0)),
            pl.BlockSpec((CB, D), lambda i, j: (j, 0)),
            pl.BlockSpec((QB, 128), lambda i, j: (i, 0)),
        ],
        out_specs=[
            pl.BlockSpec((1, QB, SLOTS), lambda i, j: (j, i, 0)),
            pl.BlockSpec((1, QB, SLOTS), lambda i, j: (j, i, 0)),
            pl.BlockSpec((1, QB, SLOTS), lambda i, j: (j, i, 0)),
        ],
        out_shape=[
            jax.ShapeDtypeStruct((nblk, Q, SLOTS), jnp.float32),
            jax.ShapeDtypeStruct((nblk, Q, SLOTS), jnp.int32),
            jax.ShapeDtypeStruct((nblk, Q, SLOTS), jnp.int32),
        ],
    )(queries, candidates, thresh128)

    vals = jnp.transpose(vals, (1, 0, 2)).reshape(Q, nblk * SLOTS)
    ids = jnp.transpose(ids, (1, 0, 2)).reshape(Q, nblk * SLOTS)
    overflow = jnp.logical_or(
        jnp.max(cnts[:, :, 0]) > SLOTS,
        jnp.max(cnts[:, :, 1]) > E_EXTRACT,
    )

    def small_path(_):
        s, p = jax.lax.top_k(vals, K_TOP)
        return s, jnp.take_along_axis(ids, p, axis=1)

    def fallback_path(_):
        return _full_topk(queries, candidates, N)

    return jax.lax.cond(overflow, fallback_path, small_path, operand=None)

# --- scband reference (transcript-rebuilt; emitter-appended) ---
"""Pipeline reference for scband-streaming-61572651156213 (READ-ONLY COPY).

The authoritative reference and input builder live on the scoring server;
editing this copy changes nothing except your own understanding.
"""

import jax, jax.numpy as jnp
import numpy as np

K_TOP = 100
CAND_BATCH = 10000

def setup_inputs(seed: int = 0) -> dict:
    key = jax.random.key(seed)
    k1, k2 = jax.random.split(key)
    queries = jax.random.normal(k1, (4096, 128), dtype=jnp.float32)
    candidates = jax.random.normal(k2, (100000, 128), dtype=jnp.float32)
    return {"queries": queries, "candidates": candidates}

def reference(queries, candidates):
    # Faithful simulation of Streaming.call: iterate over candidate batches,
    # compute scores = queries @ batch.T, take per-batch top-k, then merge
    # with the running state via concat + top-k (the `top_k` reduction fn).
    Q = queries.shape[0]
    n = candidates.shape[0]
    state_scores = jnp.zeros((Q, 0), dtype=jnp.float32)
    state_ids = jnp.zeros((Q, 0), dtype=jnp.int32)
    for start in range(0, n, CAND_BATCH):
        cand_batch = candidates[start:start + CAND_BATCH]
        # top_scores: score one batch of candidates
        scores = jnp.matmul(queries, cand_batch.T)
        k_ = min(K_TOP, scores.shape[1])  # handle_incomplete_batches=True
        s, i = jax.lax.top_k(scores, k_)
        ids = start + i  # enumerate_rows counter -> global candidate index
        # top_k reduction: merge running state with this batch's top-k
        joined_scores = jnp.concatenate([state_scores, s], axis=1)
        joined_ids = jnp.concatenate([state_ids, ids], axis=1)
        k2_ = min(K_TOP, joined_scores.shape[1])
        merged_scores, merged_idx = jax.lax.top_k(joined_scores, k2_)
        state_scores = merged_scores
        state_ids = jnp.take_along_axis(joined_ids, merged_idx, axis=1)
    return state_scores, state_ids

if __name__ == "__main__":
    import jax
    _d = setup_inputs()
    print(jax.jit(kernel)(*tuple(_d.values())))

</pallas_src>

<mosaic_0001>
module attributes {stable_mosaic.version = 14 : i64} {
  func.func @_kth_body(%arg0: i32, %arg1: memref<256x1664xf32, #tpu.memory_space<vmem>>, %arg2: memref<256x128xi32, #tpu.memory_space<vmem>>) attributes {dimension_semantics = [#tpu.dimension_semantics<arbitrary>], iteration_bounds = array<i64: 16>, scalar_prefetch = 0 : i64, scratch_operands = 0 : i64, tpu.core_type = #tpu.core_type<tc>, window_params = [{transform_indices = @transform_0, window_bounds = array<i64: 256, 1664>}, {transform_indices = @transform_1, window_bounds = array<i64: 256, 128>}]} {
    %get3A = arith.constant 0 : index
    %get3A_0 = arith.constant 0 : index
    %get3A_1 = vector.load %arg1[%get3A, %get3A_0] : memref<256x1664xf32, #tpu.memory_space<vmem>>, vector<256x1664xf32>
    %bitcast_convert_type3A = tpu.bitcast %get3A_1 : vector<256x1664xf32> -> vector<256x1664xi32>
    %ge3A = arith.constant 0 : i32
    %ge3A_2 = vector.broadcast %ge3A : i32 to vector<256x1664xi32>
    %ge3A_3 = arith.cmpi sge, %bitcast_convert_type3A, %ge3A_2 : vector<256x1664xi32>
    %xor3A = arith.constant 2147483647 : i32
    %xor3A_4 = vector.broadcast %xor3A : i32 to vector<256x1664xi32>
    %xor3A_5 = arith.xori %bitcast_convert_type3A, %xor3A_4 : vector<256x1664xi32>
    %select_n3A = arith.select %ge3A_3, %bitcast_convert_type3A, %xor3A_5 : vector<256x1664xi1>, vector<256x1664xi32>
    %broadcast_in_dim3A = arith.constant 0 : i32
    %broadcast_in_dim3A_6 = vector.broadcast %broadcast_in_dim3A : i32 to vector<256x1xi32>
    %scan3A = arith.constant 0 : i32
    %scan3A_7 = arith.constant 32 : i32
    %scan3A_8 = arith.addi %scan3A, %scan3A_7 : i32
    %scan3A_9 = arith.constant 1 : i32
    %scan3A_10 = scf.for %scan3A_19 = %scan3A to %scan3A_8 step %scan3A_9 iter_args(%scan3A_20 = %broadcast_in_dim3A_6) -> (vector<256x1xi32>)  : i32 {
      %sub3A = arith.constant 31 : i32
      %sub3A_21 = arith.subi %sub3A, %scan3A_19 : i32
      %shift_left3A = arith.constant 1 : i32
      %shift_left3A_22 = arith.shli %shift_left3A, %sub3A_21 : i32
      %or3A = vector.broadcast %shift_left3A_22 : i32 to vector<256x1xi32>
      %or3A_23 = arith.ori %scan3A_20, %or3A : vector<256x1xi32>
      %xor3A_24 = arith.constant -2147483648 : i32
      %xor3A_25 = vector.broadcast %xor3A_24 : i32 to vector<256x1xi32>
      %xor3A_26 = arith.xori %or3A_23, %xor3A_25 : vector<256x1xi32>
      %ge3A_27 = vector.broadcast %xor3A_26 : vector<256x1xi32> to vector<256x1664xi32>
      %ge3A_28 = arith.cmpi sge, %select_n3A, %ge3A_27 : vector<256x1664xi32>
      %convert_element_type3A = arith.extui %ge3A_28 : vector<256x1664xi1> to vector<256x1664xi32>
      %reduce_sum3A = arith.constant dense<0> : vector<256xi32>
      %reduce_sum3A_29 = vector.multi_reduction <add>, %convert_element_type3A, %reduce_sum3A [1] : vector<256x1664xi32> to vector<256xi32>
      %broadcast_in_dim3A_30 = vector.shape_cast %reduce_sum3A_29 : vector<256xi32> to vector<256x1xi32>
      %ge3A_31 = arith.constant 100 : i32
      %ge3A_32 = vector.broadcast %ge3A_31 : i32 to vector<256x1xi32>
      %ge3A_33 = arith.cmpi sge, %broadcast_in_dim3A_30, %ge3A_32 : vector<256x1xi32>
      %select_n3A_34 = arith.select %ge3A_33, %or3A_23, %scan3A_20 : vector<256x1xi1>, vector<256x1xi32>
      scf.yield %select_n3A_34 : vector<256x1xi32>
    }
    %scan3A_11 = arith.constant 32 : i32
    %xor3A_12 = arith.constant -2147483648 : i32
    %xor3A_13 = vector.broadcast %xor3A_12 : i32 to vector<256x1xi32>
    %xor3A_14 = arith.xori %scan3A_10, %xor3A_13 : vector<256x1xi32>
    %broadcast_in_dim3A_15 = vector.shape_cast %xor3A_14 : vector<256x1xi32> to vector<256x1xi32>
    %broadcast_in_dim3A_16 = vector.broadcast %broadcast_in_dim3A_15 : vector<256x1xi32> to vector<256x128xi32>
    %swap3A = arith.constant 0 : index
    %swap3A_17 = arith.constant 0 : index
    %swap3A_18 = vector.load %arg2[%swap3A, %swap3A_17] : memref<256x128xi32, #tpu.memory_space<vmem>>, vector<256x128xi32>
    tpu.vector_store %arg2[%swap3A, %swap3A_17], %broadcast_in_dim3A_16 {strides = array<i32>} : memref<256x128xi32, #tpu.memory_space<vmem>>, vector<256x128xi32>,
    return
  }
  func.func @transform_0(%arg0: i32) -> (i32, i32) {
    %c0_i32 = arith.constant 0 : i32
    %c0_i32_0 = arith.constant 0 : i32
    return %arg0, %c0_i32 : i32, i32
  }
  func.func @transform_1(%arg0: i32) -> (i32, i32) {
    %c0_i32 = arith.constant 0 : i32
    %c0_i32_0 = arith.constant 0 : i32
    return %arg0, %c0_i32 : i32, i32
  }
}

module attributes {stable_mosaic.version = 14 : i64} {
  func.func @_groupmax_body(%arg0: i32, %arg1: i32, %arg2: memref<256x128xf32, #tpu.memory_space<vmem>>, %arg3: memref<8192x128xf32, #tpu.memory_space<vmem>>, %arg4: memref<256x128xf32, #tpu.memory_space<vmem>>) attributes {dimension_semantics = [#tpu.dimension_semantics<arbitrary>, #tpu.dimension_semantics<arbitrary>], iteration_bounds = array<i64: 16, 13>, scalar_prefetch = 0 : i64, scratch_operands = 0 : i64, tpu.core_type = #tpu.core_type<tc>, window_params = [{transform_indices = @transform_0, window_bounds = array<i64: 256, 128>}, {transform_indices = @transform_1, window_bounds = array<i64: 8192, 128>}, {transform_indices = @transform_2, window_bounds = array<i64: 256, 128>}]} {
    %get3A = arith.constant 0 : index
    %get3A_0 = arith.constant 0 : index
    %get3A_1 = vector.load %arg2[%get3A, %get3A_0] : memref<256x128xf32, #tpu.memory_space<vmem>>, vector<256x128xf32>
    %get3A_2 = arith.constant 0 : index
    %get3A_3 = arith.constant 0 : index
    %get3A_4 = vector.load %arg3[%get3A_2, %get3A_3] : memref<8192x128xf32, #tpu.memory_space<vmem>>, vector<8192x128xf32>
    %dot_general3A = arith.constant dense<0.000000e+00> : vector<256x8192xf32>
    %dot_general3A_5 = tpu.matmul %get3A_1, %get3A_4, %dot_general3A {dimension_numbers = #tpu.dot_dimension_numbers<[1], [1], [0], [0], [0, 0, 1, 0], [], []>, transpose_lhs_hint = false} : vector<256x128xf32>, vector<8192x128xf32>, vector<256x8192xf32> -> vector<256x8192xf32>
    %reshape3A = vector.shape_cast %dot_general3A_5 : vector<256x8192xf32> to vector<256x64x128xf32>
    %iota3A = tpu.iota {dimensions = array<i32: 1>} : vector<256x64x128xi32>
    %iota3A_6 = tpu.iota {dimensions = array<i32: 2>} : vector<256x64x128xi32>
    %mul3A = arith.constant 8192 : i32
    %mul3A_7 = arith.muli %arg1, %mul3A : i32
    %mul3A_8 = arith.constant 128 : i32
    %mul3A_9 = vector.broadcast %mul3A_8 : i32 to vector<256x64x128xi32>
    %mul3A_10 = arith.muli %iota3A, %mul3A_9 : vector<256x64x128xi32>
    %add3A = vector.broadcast %mul3A_7 : i32 to vector<256x64x128xi32>
    %add3A_11 = arith.addi %add3A, %mul3A_10 : vector<256x64x128xi32>
    %add3A_12 = arith.addi %add3A_11, %iota3A_6 : vector<256x64x128xi32>
    %lt3A = arith.constant 100000 : i32
    %lt3A_13 = vector.broadcast %lt3A : i32 to vector<256x64x128xi32>
    %lt3A_14 = arith.cmpi slt, %add3A_12, %lt3A_13 : vector<256x64x128xi32>
    %jit3A = arith.constant 0xFF800000 : f32
    %broadcast_in_dim3A = vector.broadcast %jit3A : f32 to vector<256x64x128xf32>
    %select_n3A = arith.select %lt3A_14, %reshape3A, %broadcast_in_dim3A : vector<256x64x128xi1>, vector<256x64x128xf32>
    %reduce_max3A = arith.constant dense<0xFF800000> : vector<256x128xf32>
    %reduce_max3A_15 = vector.multi_reduction <maximumf>, %select_n3A, %reduce_max3A [1] : vector<256x64x128xf32> to vector<256x128xf32>
    %swap3A = arith.constant 0 : index
    %swap3A_16 = arith.constant 0 : index
    %swap3A_17 = vector.load %arg4[%swap3A, %swap3A_16] : memref<256x128xf32, #tpu.memory_space<vmem>>, vector<256x128xf32>
    tpu.vector_store %arg4[%swap3A, %swap3A_16], %reduce_max3A_15 {strides = array<i32>} : memref<256x128xf32, #tpu.memory_space<vmem>>, vector<256x128xf32>,
    return
  }
  func.func @transform_0(%arg0: i32, %arg1: i32) -> (i32, i32) {
    %c0_i32 = arith.constant 0 : i32
    %c0_i32_0 = arith.constant 0 : i32
    return %arg0, %c0_i32 : i32, i32
  }
  func.func @transform_1(%arg0: i32, %arg1: i32) -> (i32, i32) {
    %c0_i32 = arith.constant 0 : i32
    %c0_i32_0 = arith.constant 0 : i32
    return %arg1, %c0_i32 : i32, i32
  }
  func.func @transform_2(%arg0: i32, %arg1: i32) -> (i32, i32) {
    %c0_i32 = arith.constant 0 : i32
    return %arg0, %arg1 : i32, i32
  }
}

module attributes {stable_mosaic.version = 14 : i64} {
  func.func @_extract_body(%arg0: i32, %arg1: i32, %arg2: memref<256x128xf32, #tpu.memory_space<vmem>>, %arg3: memref<8192x128xf32, #tpu.memory_space<vmem>>, %arg4: memref<256x128xf32, #tpu.memory_space<vmem>>, %arg5: memref<1x256x28xf32, #tpu.memory_space<vmem>>, %arg6: memref<1x256x28xi32, #tpu.memory_space<vmem>>, %arg7: memref<1x256x28xi32, #tpu.memory_space<vmem>>) attributes {dimension_semantics = [#tpu.dimension_semantics<arbitrary>, #tpu.dimension_semantics<arbitrary>], iteration_bounds = array<i64: 16, 13>, scalar_prefetch = 0 : i64, scratch_operands = 0 : i64, tpu.core_type = #tpu.core_type<tc>, window_params = [{transform_indices = @transform_0, window_bounds = array<i64: 256, 128>}, {transform_indices = @transform_1, window_bounds = array<i64: 8192, 128>}, {transform_indices = @transform_2, window_bounds = array<i64: 256, 128>}, {transform_indices = @transform_3, window_bounds = array<i64: 1, 256, 28>}, {transform_indices = @transform_4, window_bounds = array<i64: 1, 256, 28>}, {transform_indices = @transform_5, window_bounds = array<i64: 1, 256, 28>}]} {
    %get3A = arith.constant 0 : index
    %get3A_0 = arith.constant 0 : index
    %get3A_1 = vector.load %arg4[%get3A, %get3A_0] : memref<256x128xf32, #tpu.memory_space<vmem>>, vector<256x128xf32>
    %slice3A = vector.extract_strided_slice %get3A_1 {offsets = [0, 0], sizes = [256, 1], strides = [1, 1]} : vector<256x128xf32> to vector<256x1xf32>
    %get3A_2 = arith.constant 0 : index
    %get3A_3 = arith.constant 0 : index
    %get3A_4 = vector.load %arg2[%get3A_2, %get3A_3] : memref<256x128xf32, #tpu.memory_space<vmem>>, vector<256x128xf32>
    %get3A_5 = arith.constant 0 : index
    %get3A_6 = arith.constant 0 : index
    %get3A_7 = vector.load %arg3[%get3A_5, %get3A_6] : memref<8192x128xf32, #tpu.memory_space<vmem>>, vector<8192x128xf32>
    %dot_general3A = arith.constant dense<0.000000e+00> : vector<256x8192xf32>
    %dot_general3A_8 = tpu.matmul %get3A_4, %get3A_7, %dot_general3A {dimension_numbers = #tpu.dot_dimension_numbers<[1], [1], [0], [0], [0, 0, 1, 0], [], []>, transpose_lhs_hint = false} : vector<256x128xf32>, vector<8192x128xf32>, vector<256x8192xf32> -> vector<256x8192xf32>
    %reshape3A = vector.shape_cast %dot_general3A_8 : vector<256x8192xf32> to vector<256x64x128xf32>
    %iota3A = tpu.iota {dimensions = array<i32: 1>} : vector<256x64x128xi32>
    %iota3A_9 = tpu.iota {dimensions = array<i32: 2>} : vector<256x64x128xi32>
    %mul3A = arith.constant 8192 : i32
    %mul3A_10 = arith.muli %arg1, %mul3A : i32
    %mul3A_11 = arith.constant 128 : i32
    %mul3A_12 = vector.broadcast %mul3A_11 : i32 to vector<256x64x128xi32>
    %mul3A_13 = arith.muli %iota3A, %mul3A_12 : vector<256x64x128xi32>
    %add3A = vector.broadcast %mul3A_10 : i32 to vector<256x64x128xi32>
    %add3A_14 = arith.addi %add3A, %mul3A_13 : vector<256x64x128xi32>
    %add3A_15 = arith.addi %add3A_14, %iota3A_9 : vector<256x64x128xi32>
    %lt3A = arith.constant 100000 : i32
    %lt3A_16 = vector.broadcast %lt3A : i32 to vector<256x64x128xi32>
    %lt3A_17 = arith.cmpi slt, %add3A_15, %lt3A_16 : vector<256x64x128xi32>
    %jit3A = arith.constant 0xFF800000 : f32
    %broadcast_in_dim3A = vector.broadcast %jit3A : f32 to vector<256x64x128xf32>
    %select_n3A = arith.select %lt3A_17, %reshape3A, %broadcast_in_dim3A : vector<256x64x128xi1>, vector<256x64x128xf32>
    %broadcast_in_dim3A_18 = vector.shape_cast %slice3A : vector<256x1xf32> to vector<256x1x1xf32>
    %ge3A = vector.broadcast %broadcast_in_dim3A_18 : vector<256x1x1xf32> to vector<256x64x128xf32>
    %ge3A_19 = arith.cmpf oge, %select_n3A, %ge3A : vector<256x64x128xf32>
    %convert_element_type3A = arith.extui %ge3A_19 : vector<256x64x128xi1> to vector<256x64x128xi32>
    %reduce_sum3A = arith.constant dense<0> : vector<256x128xi32>
    %reduce_sum3A_20 = vector.multi_reduction <add>, %convert_element_type3A, %reduce_sum3A [1] : vector<256x64x128xi32> to vector<256x128xi32>
    %reduce_sum3A_21 = arith.constant dense<0> : vector<256xi32>
    %reduce_sum3A_22 = vector.multi_reduction <add>, %reduce_sum3A_20, %reduce_sum3A_21 [1] : vector<256x128xi32> to vector<256xi32>
    %broadcast_in_dim3A_23 = vector.shape_cast %reduce_sum3A_22 : vector<256xi32> to vector<256x1xi32>
    %reduce_max3A = arith.constant dense<-2147483648> : vector<256xi32>
    %reduce_max3A_24 = vector.multi_reduction <maxsi>, %reduce_sum3A_20, %reduce_max3A [1] : vector<256x128xi32> to vector<256xi32>
    %broadcast_in_dim3A_25 = vector.shape_cast %reduce_max3A_24 : vector<256xi32> to vector<256x1xi32>
    %iota3A_26 = tpu.iota {dimensions = array<i32: 1>} : vector<256x128xi32>
    %reduce_max3A_27 = arith.constant dense<0xFF800000> : vector<256x128xf32>
    %reduce_max3A_28 = vector.multi_reduction <maximumf>, %select_n3A, %reduce_max3A_27 [1] : vector<256x64x128xf32> to vector<256x128xf32>
    %broadcast_in_dim3A_29 = vector.shape_cast %reduce_max3A_28 : vector<256x128xf32> to vector<256x1x128xf32>
    %eq3A = vector.broadcast %broadcast_in_dim3A_29 : vector<256x1x128xf32> to vector<256x64x128xf32>
    %eq3A_30 = arith.cmpf oeq, %select_n3A, %eq3A : vector<256x64x128xf32>
    %jit3A_31 = arith.constant 64 : i32
    %broadcast_in_dim3A_32 = vector.broadcast %jit3A_31 : i32 to vector<256x64x128xi32>
    %select_n3A_33 = arith.select %eq3A_30, %iota3A, %broadcast_in_dim3A_32 : vector<256x64x128xi1>, vector<256x64x128xi32>
    %reduce_min3A = arith.constant dense<2147483647> : vector<256x128xi32>
    %reduce_min3A_34 = vector.multi_reduction <minsi>, %select_n3A_33, %reduce_min3A [1] : vector<256x64x128xi32> to vector<256x128xi32>
    %mul3A_35 = arith.constant 8192 : i32
    %mul3A_36 = arith.muli %arg1, %mul3A_35 : i32
    %mul3A_37 = arith.constant 128 : i32
    %mul3A_38 = vector.broadcast %mul3A_37 : i32 to vector<256x128xi32>
    %mul3A_39 = arith.muli %reduce_min3A_34, %mul3A_38 : vector<256x128xi32>
    %add3A_40 = vector.broadcast %mul3A_36 : i32 to vector<256x128xi32>
    %add3A_41 = arith.addi %add3A_40, %mul3A_39 : vector<256x128xi32>
    %add3A_42 = arith.addi %add3A_41, %iota3A_26 : vector<256x128xi32>
    %ge3A_43 = vector.broadcast %slice3A : vector<256x1xf32> to vector<256x128xf32>
    %ge3A_44 = arith.cmpf oge, %reduce_max3A_28, %ge3A_43 : vector<256x128xf32>
    %jit3A_45 = arith.constant 0xFF800000 : f32
    %broadcast_in_dim3A_46 = vector.broadcast %jit3A_45 : f32 to vector<256x128xf32>
    %select_n3A_47 = arith.select %ge3A_44, %reduce_max3A_28, %broadcast_in_dim3A_46 : vector<256x128xi1>, vector<256x128xf32>
    %jit3A_48 = arith.constant 0 : i32
    %broadcast_in_dim3A_49 = vector.broadcast %jit3A_48 : i32 to vector<256x128xi32>
    %select_n3A_50 = arith.select %ge3A_44, %add3A_42, %broadcast_in_dim3A_49 : vector<256x128xi1>, vector<256x128xi32>
    %broadcast_in_dim3A_51 = vector.shape_cast %reduce_min3A_34 : vector<256x128xi32> to vector<256x1x128xi32>
    %eq3A_52 = vector.broadcast %broadcast_in_dim3A_51 : vector<256x1x128xi32> to vector<256x64x128xi32>
    %eq3A_53 = arith.cmpi eq, %iota3A, %eq3A_52 : vector<256x64x128xi32>
    %jit3A_54 = arith.constant 0xFF800000 : f32
    %broadcast_in_dim3A_55 = vector.broadcast %jit3A_54 : f32 to vector<256x64x128xf32>
    %select_n3A_56 = arith.select %eq3A_53, %broadcast_in_dim3A_55, %select_n3A : vector<256x64x128xi1>, vector<256x64x128xf32>
    %reduce_max3A_57 = arith.constant dense<0xFF800000> : vector<256x128xf32>
    %reduce_max3A_58 = vector.multi_reduction <maximumf>, %select_n3A_56, %reduce_max3A_57 [1] : vector<256x64x128xf32> to vector<256x128xf32>
    %broadcast_in_dim3A_59 = vector.shape_cast %reduce_max3A_58 : vector<256x128xf32> to vector<256x1x128xf32>
    %eq3A_60 = vector.broadcast %broadcast_in_dim3A_59 : vector<256x1x128xf32> to vector<256x64x128xf32>
    %eq3A_61 = arith.cmpf oeq, %select_n3A_56, %eq3A_60 : vector<256x64x128xf32>
    %jit3A_62 = arith.constant 64 : i32
    %broadcast_in_dim3A_63 = vector.broadcast %jit3A_62 : i32 to vector<256x64x128xi32>
    %select_n3A_64 = arith.select %eq3A_61, %iota3A, %broadcast_in_dim3A_63 : vector<256x64x128xi1>, vector<256x64x128xi32>
    %reduce_min3A_65 = arith.constant dense<2147483647> : vector<256x128xi32>
    %reduce_min3A_66 = vector.multi_reduction <minsi>, %select_n3A_64, %reduce_min3A_65 [1] : vector<256x64x128xi32> to vector<256x128xi32>
    %mul3A_67 = arith.constant 8192 : i32
    %mul3A_68 = arith.muli %arg1, %mul3A_67 : i32
    %mul3A_69 = arith.constant 128 : i32
    %mul3A_70 = vector.broadcast %mul3A_69 : i32 to vector<256x128xi32>
    %mul3A_71 = arith.muli %reduce_min3A_66, %mul3A_70 : vector<256x128xi32>
    %add3A_72 = vector.broadcast %mul3A_68 : i32 to vector<256x128xi32>
    %add3A_73 = arith.addi %add3A_72, %mul3A_71 : vector<256x128xi32>
    %add3A_74 = arith.addi %add3A_73, %iota3A_26 : vector<256x128xi32>
    %ge3A_75 = vector.broadcast %slice3A : vector<256x1xf32> to vector<256x128xf32>
    %ge3A_76 = arith.cmpf oge, %reduce_max3A_58, %ge3A_75 : vector<256x128xf32>
    %jit3A_77 = arith.constant 0xFF800000 : f32
    %broadcast_in_dim3A_78 = vector.broadcast %jit3A_77 : f32 to vector<256x128xf32>
    %select_n3A_79 = arith.select %ge3A_76, %reduce_max3A_58, %broadcast_in_dim3A_78 : vector<256x128xi1>, vector<256x128xf32>
    %jit3A_80 = arith.constant 0 : i32
    %broadcast_in_dim3A_81 = vector.broadcast %jit3A_80 : i32 to vector<256x128xi32>
    %select_n3A_82 = arith.select %ge3A_76, %add3A_74, %broadcast_in_dim3A_81 : vector<256x128xi1>, vector<256x128xi32>
    %broadcast_in_dim3A_83 = vector.shape_cast %reduce_min3A_66 : vector<256x128xi32> to vector<256x1x128xi32>
    %eq3A_84 = vector.broadcast %broadcast_in_dim3A_83 : vector<256x1x128xi32> to vector<256x64x128xi32>
    %eq3A_85 = arith.cmpi eq, %iota3A, %eq3A_84 : vector<256x64x128xi32>
    %jit3A_86 = arith.constant 0xFF800000 : f32
    %broadcast_in_dim3A_87 = vector.broadcast %jit3A_86 : f32 to vector<256x64x128xf32>
    %select_n3A_88 = arith.select %eq3A_85, %broadcast_in_dim3A_87, %select_n3A_56 : vector<256x64x128xi1>, vector<256x64x128xf32>
    %reduce_max3A_89 = arith.constant dense<0xFF800000> : vector<256x128xf32>
    %reduce_max3A_90 = vector.multi_reduction <maximumf>, %select_n3A_88, %reduce_max3A_89 [1] : vector<256x64x128xf32> to vector<256x128xf32>
    %broadcast_in_dim3A_91 = vector.shape_cast %reduce_max3A_90 : vector<256x128xf32> to vector<256x1x128xf32>
    %eq3A_92 = vector.broadcast %broadcast_in_dim3A_91 : vector<256x1x128xf32> to vector<256x64x128xf32>
    %eq3A_93 = arith.cmpf oeq, %select_n3A_88, %eq3A_92 : vector<256x64x128xf32>
    %jit3A_94 = arith.constant 64 : i32
    %broadcast_in_dim3A_95 = vector.broadcast %jit3A_94 : i32 to vector<256x64x128xi32>
    %select_n3A_96 = arith.select %eq3A_93, %iota3A, %broadcast_in_dim3A_95 : vector<256x64x128xi1>, vector<256x64x128xi32>
    %reduce_min3A_97 = arith.constant dense<2147483647> : vector<256x128xi32>
    %reduce_min3A_98 = vector.multi_reduction <minsi>, %select_n3A_96, %reduce_min3A_97 [1] : vector<256x64x128xi32> to vector<256x128xi32>
    %mul3A_99 = arith.constant 8192 : i32
    %mul3A_100 = arith.muli %arg1, %mul3A_99 : i32
    %mul3A_101 = arith.constant 128 : i32
    %mul3A_102 = vector.broadcast %mul3A_101 : i32 to vector<256x128xi32>
    %mul3A_103 = arith.muli %reduce_min3A_98, %mul3A_102 : vector<256x128xi32>
    %add3A_104 = vector.broadcast %mul3A_100 : i32 to vector<256x128xi32>
    %add3A_105 = arith.addi %add3A_104, %mul3A_103 : vector<256x128xi32>
    %add3A_106 = arith.addi %add3A_105, %iota3A_26 : vector<256x128xi32>
    %ge3A_107 = vector.broadcast %slice3A : vector<256x1xf32> to vector<256x128xf32>
    %ge3A_108 = arith.cmpf oge, %reduce_max3A_90, %ge3A_107 : vector<256x128xf32>
    %jit3A_109 = arith.constant 0xFF800000 : f32
    %broadcast_in_dim3A_110 = vector.broadcast %jit3A_109 : f32 to vector<256x128xf32>
    %select_n3A_111 = arith.select %ge3A_108, %reduce_max3A_90, %broadcast_in_dim3A_110 : vector<256x128xi1>, vector<256x128xf32>
    %jit3A_112 = arith.constant 0 : i32
    %broadcast_in_dim3A_113 = vector.broadcast %jit3A_112 : i32 to vector<256x128xi32>
    %select_n3A_114 = arith.select %ge3A_108, %add3A_106, %broadcast_in_dim3A_113 : vector<256x128xi1>, vector<256x128xi32>
    %broadcast_in_dim3A_115 = vector.shape_cast %reduce_min3A_98 : vector<256x128xi32> to vector<256x1x128xi32>
    %eq3A_116 = vector.broadcast %broadcast_in_dim3A_115 : vector<256x1x128xi32> to vector<256x64x128xi32>
    %eq3A_117 = arith.cmpi eq, %iota3A, %eq3A_116 : vector<256x64x128xi32>
    %jit3A_118 = arith.constant 0xFF800000 : f32
    %broadcast_in_dim3A_119 = vector.broadcast %jit3A_118 : f32 to vector<256x64x128xf32>
    %select_n3A_120 = arith.select %eq3A_117, %broadcast_in_dim3A_119, %select_n3A_88 : vector<256x64x128xi1>, vector<256x64x128xf32>
    %reduce_max3A_121 = arith.constant dense<0xFF800000> : vector<256x128xf32>
    %reduce_max3A_122 = vector.multi_reduction <maximumf>, %select_n3A_120, %reduce_max3A_121 [1] : vector<256x64x128xf32> to vector<256x128xf32>
    %broadcast_in_dim3A_123 = vector.shape_cast %reduce_max3A_122 : vector<256x128xf32> to vector<256x1x128xf32>
    %eq3A_124 = vector.broadcast %broadcast_in_dim3A_123 : vector<256x1x128xf32> to vector<256x64x128xf32>
    %eq3A_125 = arith.cmpf oeq, %select_n3A_120, %eq3A_124 : vector<256x64x128xf32>
    %jit3A_126 = arith.constant 64 : i32
    %broadcast_in_dim3A_127 = vector.broadcast %jit3A_126 : i32 to vector<256x64x128xi32>
    %select_n3A_128 = arith.select %eq3A_125, %iota3A, %broadcast_in_dim3A_127 : vector<256x64x128xi1>, vector<256x64x128xi32>
    %reduce_min3A_129 = arith.constant dense<2147483647> : vector<256x128xi32>
    %reduce_min3A_130 = vector.multi_reduction <minsi>, %select_n3A_128, %reduce_min3A_129 [1] : vector<256x64x128xi32> to vector<256x128xi32>
    %mul3A_131 = arith.constant 8192 : i32
    %mul3A_132 = arith.muli %arg1, %mul3A_131 : i32
    %mul3A_133 = arith.constant 128 : i32
    %mul3A_134 = vector.broadcast %mul3A_133 : i32 to vector<256x128xi32>
    %mul3A_135 = arith.muli %reduce_min3A_130, %mul3A_134 : vector<256x128xi32>
    %add3A_136 = vector.broadcast %mul3A_132 : i32 to vector<256x128xi32>
    %add3A_137 = arith.addi %add3A_136, %mul3A_135 : vector<256x128xi32>
    %add3A_138 = arith.addi %add3A_137, %iota3A_26 : vector<256x128xi32>
    %ge3A_139 = vector.broadcast %slice3A : vector<256x1xf32> to vector<256x128xf32>
    %ge3A_140 = arith.cmpf oge, %reduce_max3A_122, %ge3A_139 : vector<256x128xf32>
    %jit3A_141 = arith.constant 0xFF800000 : f32
    %broadcast_in_dim3A_142 = vector.broadcast %jit3A_141 : f32 to vector<256x128xf32>
    %select_n3A_143 = arith.select %ge3A_140, %reduce_max3A_122, %broadcast_in_dim3A_142 : vector<256x128xi1>, vector<256x128xf32>
    %jit3A_144 = arith.constant 0 : i32
    %broadcast_in_dim3A_145 = vector.broadcast %jit3A_144 : i32 to vector<256x128xi32>
    %select_n3A_146 = arith.select %ge3A_140, %add3A_138, %broadcast_in_dim3A_145 : vector<256x128xi1>, vector<256x128xi32>
    %broadcast_in_dim3A_147 = vector.shape_cast %reduce_min3A_130 : vector<256x128xi32> to vector<256x1x128xi32>
    %eq3A_148 = vector.broadcast %broadcast_in_dim3A_147 : vector<256x1x128xi32> to vector<256x64x128xi32>
    %eq3A_149 = arith.cmpi eq, %iota3A, %eq3A_148 : vector<256x64x128xi32>
    %jit3A_150 = arith.constant 0xFF800000 : f32
    %broadcast_in_dim3A_151 = vector.broadcast %jit3A_150 : f32 to vector<256x64x128xf32>
    %select_n3A_152 = arith.select %eq3A_149, %broadcast_in_dim3A_151, %select_n3A_120 : vector<256x64x128xi1>, vector<256x64x128xf32>
    %reduce_max3A_153 = arith.constant dense<0xFF800000> : vector<256x128xf32>
    %reduce_max3A_154 = vector.multi_reduction <maximumf>, %select_n3A_152, %reduce_max3A_153 [1] : vector<256x64x128xf32> to vector<256x128xf32>
    %broadcast_in_dim3A_155 = vector.shape_cast %reduce_max3A_154 : vector<256x128xf32> to vector<256x1x128xf32>
    %eq3A_156 = vector.broadcast %broadcast_in_dim3A_155 : vector<256x1x128xf32> to vector<256x64x128xf32>
    %eq3A_157 = arith.cmpf oeq, %select_n3A_152, %eq3A_156 : vector<256x64x128xf32>
    %jit3A_158 = arith.constant 64 : i32
    %broadcast_in_dim3A_159 = vector.broadcast %jit3A_158 : i32 to vector<256x64x128xi32>
    %select_n3A_160 = arith.select %eq3A_157, %iota3A, %broadcast_in_dim3A_159 : vector<256x64x128xi1>, vector<256x64x128xi32>
    %reduce_min3A_161 = arith.constant dense<2147483647> : vector<256x128xi32>
    %reduce_min3A_162 = vector.multi_reduction <minsi>, %select_n3A_160, %reduce_min3A_161 [1] : vector<256x64x128xi32> to vector<256x128xi32>
    %mul3A_163 = arith.constant 8192 : i32
    %mul3A_164 = arith.muli %arg1, %mul3A_163 : i32
    %mul3A_165 = arith.constant 128 : i32
    %mul3A_166 = vector.broadcast %mul3A_165 : i32 to vector<256x128xi32>
    %mul3A_167 = arith.muli %reduce_min3A_162, %mul3A_166 : vector<256x128xi32>
    %add3A_168 = vector.broadcast %mul3A_164 : i32 to vector<256x128xi32>
    %add3A_169 = arith.addi %add3A_168, %mul3A_167 : vector<256x128xi32>
    %add3A_170 = arith.addi %add3A_169, %iota3A_26 : vector<256x128xi32>
    %ge3A_171 = vector.broadcast %slice3A : vector<256x1xf32> to vector<256x128xf32>
    %ge3A_172 = arith.cmpf oge, %reduce_max3A_154, %ge3A_171 : vector<256x128xf32>
    %jit3A_173 = arith.constant 0xFF800000 : f32
    %broadcast_in_dim3A_174 = vector.broadcast %jit3A_173 : f32 to vector<256x128xf32>
    %select_n3A_175 = arith.select %ge3A_172, %reduce_max3A_154, %broadcast_in_dim3A_174 : vector<256x128xi1>, vector<256x128xf32>
    %jit3A_176 = arith.constant 0 : i32
    %broadcast_in_dim3A_177 = vector.broadcast %jit3A_176 : i32 to vector<256x128xi32>
    %select_n3A_178 = arith.select %ge3A_172, %add3A_170, %broadcast_in_dim3A_177 : vector<256x128xi1>, vector<256x128xi32>
    %broadcast_in_dim3A_179 = vector.shape_cast %reduce_min3A_162 : vector<256x128xi32> to vector<256x1x128xi32>
    %eq3A_180 = vector.broadcast %broadcast_in_dim3A_179 : vector<256x1x128xi32> to vector<256x64x128xi32>
    %eq3A_181 = arith.cmpi eq, %iota3A, %eq3A_180 : vector<256x64x128xi32>
    %jit3A_182 = arith.constant 0xFF800000 : f32
    %broadcast_in_dim3A_183 = vector.broadcast %jit3A_182 : f32 to vector<256x64x128xf32>
    %select_n3A_184 = arith.select %eq3A_181, %broadcast_in_dim3A_183, %select_n3A_152 : vector<256x64x128xi1>, vector<256x64x128xf32>
    %reduce_max3A_185 = arith.constant dense<0xFF800000> : vector<256x128xf32>
    %reduce_max3A_186 = vector.multi_reduction <maximumf>, %select_n3A_184, %reduce_max3A_185 [1] : vector<256x64x128xf32> to vector<256x128xf32>
    %broadcast_in_dim3A_187 = vector.shape_cast %reduce_max3A_186 : vector<256x128xf32> to vector<256x1x128xf32>
    %eq3A_188 = vector.broadcast %broadcast_in_dim3A_187 : vector<256x1x128xf32> to vector<256x64x128xf32>
    %eq3A_189 = arith.cmpf oeq, %select_n3A_184, %eq3A_188 : vector<256x64x128xf32>
    %jit3A_190 = arith.constant 64 : i32
    %broadcast_in_dim3A_191 = vector.broadcast %jit3A_190 : i32 to vector<256x64x128xi32>
    %select_n3A_192 = arith.select %eq3A_189, %iota3A, %broadcast_in_dim3A_191 : vector<256x64x128xi1>, vector<256x64x128xi32>
    %reduce_min3A_193 = arith.constant dense<2147483647> : vector<256x128xi32>
    %reduce_min3A_194 = vector.multi_reduction <minsi>, %select_n3A_192, %reduce_min3A_193 [1] : vector<256x64x128xi32> to vector<256x128xi32>
    %mul3A_195 = arith.constant 8192 : i32
    %mul3A_196 = arith.muli %arg1, %mul3A_195 : i32
    %mul3A_197 = arith.constant 128 : i32
    %mul3A_198 = vector.broadcast %mul3A_197 : i32 to vector<256x128xi32>
    %mul3A_199 = arith.muli %reduce_min3A_194, %mul3A_198 : vector<256x128xi32>
    %add3A_200 = vector.broadcast %mul3A_196 : i32 to vector<256x128xi32>
    %add3A_201 = arith.addi %add3A_200, %mul3A_199 : vector<256x128xi32>
    %add3A_202 = arith.addi %add3A_201, %iota3A_26 : vector<256x128xi32>
    %ge3A_203 = vector.broadcast %slice3A : vector<256x1xf32> to vector<256x128xf32>
    %ge3A_204 = arith.cmpf oge, %reduce_max3A_186, %ge3A_203 : vector<256x128xf32>
    %jit3A_205 = arith.constant 0xFF800000 : f32
    %broadcast_in_dim3A_206 = vector.broadcast %jit3A_205 : f32 to vector<256x128xf32>
    %select_n3A_207 = arith.select %ge3A_204, %reduce_max3A_186, %broadcast_in_dim3A_206 : vector<256x128xi1>, vector<256x128xf32>
    %jit3A_208 = arith.constant 0 : i32
    %broadcast_in_dim3A_209 = vector.broadcast %jit3A_208 : i32 to vector<256x128xi32>
    %select_n3A_210 = arith.select %ge3A_204, %add3A_202, %broadcast_in_dim3A_209 : vector<256x128xi1>, vector<256x128xi32>
    %concatenate3A = tpu.concatenate %select_n3A_47, %select_n3A_79, %select_n3A_111, %select_n3A_143, %select_n3A_175, %select_n3A_207 in 1 : vector<256x128xf32>, vector<256x128xf32>, vector<256x128xf32>, vector<256x128xf32>, vector<256x128xf32>, vector<256x128xf32> -> vector<256x768xf32>
    %concatenate3A_211 = tpu.concatenate %select_n3A_50, %select_n3A_82, %select_n3A_114, %select_n3A_146, %select_n3A_178, %select_n3A_210 in 1 : vector<256x128xi32>, vector<256x128xi32>, vector<256x128xi32>, vector<256x128xi32>, vector<256x128xi32>, vector<256x128xi32> -> vector<256x768xi32>
    %iota3A_212 = tpu.iota {dimensions = array<i32: 1>} : vector<256x768xi32>
    %reduce_max3A_213 = arith.constant dense<0xFF800000> : vector<256xf32>
    %reduce_max3A_214 = vector.multi_reduction <maximumf>, %concatenate3A, %reduce_max3A_213 [1] : vector<256x768xf32> to vector<256xf32>
    %broadcast_in_dim3A_215 = vector.shape_cast %reduce_max3A_214 : vector<256xf32> to vector<256x1xf32>
    %eq3A_216 = vector.broadcast %broadcast_in_dim3A_215 : vector<256x1xf32> to vector<256x768xf32>
    %eq3A_217 = arith.cmpf oeq, %concatenate3A, %eq3A_216 : vector<256x768xf32>
    %jit3A_218 = arith.constant 768 : i32
    %broadcast_in_dim3A_219 = vector.broadcast %jit3A_218 : i32 to vector<256x768xi32>
    %select_n3A_220 = arith.select %eq3A_217, %iota3A_212, %broadcast_in_dim3A_219 : vector<256x768xi1>, vector<256x768xi32>
    %reduce_min3A_221 = arith.constant dense<2147483647> : vector<256xi32>
    %reduce_min3A_222 = vector.multi_reduction <minsi>, %select_n3A_220, %reduce_min3A_221 [1] : vector<256x768xi32> to vector<256xi32>
    %broadcast_in_dim3A_223 = vector.shape_cast %reduce_min3A_222 : vector<256xi32> to vector<256x1xi32>
    %eq3A_224 = vector.broadcast %broadcast_in_dim3A_223 : vector<256x1xi32> to vector<256x768xi32>
    %eq3A_225 = arith.cmpi eq, %iota3A_212, %eq3A_224 : vector<256x768xi32>
    %jit3A_226 = arith.constant 0 : i32
    %broadcast_in_dim3A_227 = vector.broadcast %jit3A_226 : i32 to vector<256x768xi32>
    %select_n3A_228 = arith.select %eq3A_225, %concatenate3A_211, %broadcast_in_dim3A_227 : vector<256x768xi1>, vector<256x768xi32>
    %reduce_sum3A_229 = arith.constant dense<0> : vector<256xi32>
    %reduce_sum3A_230 = vector.multi_reduction <add>, %select_n3A_228, %reduce_sum3A_229 [1] : vector<256x768xi32> to vector<256xi32>
    %broadcast_in_dim3A_231 = vector.shape_cast %reduce_sum3A_230 : vector<256xi32> to vector<256x1xi32>
    %jit3A_232 = arith.constant 0xFF800000 : f32
    %broadcast_in_dim3A_233 = vector.broadcast %jit3A_232 : f32 to vector<256x768xf32>
    %select_n3A_234 = arith.select %eq3A_225, %broadcast_in_dim3A_233, %concatenate3A : vector<256x768xi1>, vector<256x768xf32>
    %reduce_max3A_235 = arith.constant dense<0xFF800000> : vector<256xf32>
    %reduce_max3A_236 = vector.multi_reduction <maximumf>, %select_n3A_234, %reduce_max3A_235 [1] : vector<256x768xf32> to vector<256xf32>
    %broadcast_in_dim3A_237 = vector.shape_cast %reduce_max3A_236 : vector<256xf32> to vector<256x1xf32>
    %eq3A_238 = vector.broadcast %broadcast_in_dim3A_237 : vector<256x1xf32> to vector<256x768xf32>
    %eq3A_239 = arith.cmpf oeq, %select_n3A_234, %eq3A_238 : vector<256x768xf32>
    %jit3A_240 = arith.constant 768 : i32
    %broadcast_in_dim3A_241 = vector.broadcast %jit3A_240 : i32 to vector<256x768xi32>
    %select_n3A_242 = arith.select %eq3A_239, %iota3A_212, %broadcast_in_dim3A_241 : vector<256x768xi1>, vector<256x768xi32>
    %reduce_min3A_243 = arith.constant dense<2147483647> : vector<256xi32>
    %reduce_min3A_244 = vector.multi_reduction <minsi>, %select_n3A_242, %reduce_min3A_243 [1] : vector<256x768xi32> to vector<256xi32>
    %broadcast_in_dim3A_245 = vector.shape_cast %reduce_min3A_244 : vector<256xi32> to vector<256x1xi32>
    %eq3A_246 = vector.broadcast %broadcast_in_dim3A_245 : vector<256x1xi32> to vector<256x768xi32>
    %eq3A_247 = arith.cmpi eq, %iota3A_212, %eq3A_246 : vector<256x768xi32>
    %jit3A_248 = arith.constant 0 : i32
    %broadcast_in_dim3A_249 = vector.broadcast %jit3A_248 : i32 to vector<256x768xi32>
    %select_n3A_250 = arith.select %eq3A_247, %concatenate3A_211, %broadcast_in_dim3A_249 : vector<256x768xi1>, vector<256x768xi32>
    %reduce_sum3A_251 = arith.constant dense<0> : vector<256xi32>
    %reduce_sum3A_252 = vector.multi_reduction <add>, %select_n3A_250, %reduce_sum3A_251 [1] : vector<256x768xi32> to vector<256xi32>
    %broadcast_in_dim3A_253 = vector.shape_cast %reduce_sum3A_252 : vector<256xi32> to vector<256x1xi32>
    %jit3A_254 = arith.constant 0xFF800000 : f32
    %broadcast_in_dim3A_255 = vector.broadcast %jit3A_254 : f32 to vector<256x768xf32>
    %select_n3A_256 = arith.select %eq3A_247, %broadcast_in_dim3A_255, %select_n3A_234 : vector<256x768xi1>, vector<256x768xf32>
    %reduce_max3A_257 = arith.constant dense<0xFF800000> : vector<256xf32>
    %reduce_max3A_258 = vector.multi_reduction <maximumf>, %select_n3A_256, %reduce_max3A_257 [1] : vector<256x768xf32> to vector<256xf32>
    %broadcast_in_dim3A_259 = vector.shape_cast %reduce_max3A_258 : vector<256xf32> to vector<256x1xf32>
    %eq3A_260 = vector.broadcast %broadcast_in_dim3A_259 : vector<256x1xf32> to vector<256x768xf32>
    %eq3A_261 = arith.cmpf oeq, %select_n3A_256, %eq3A_260 : vector<256x768xf32>
    %jit3A_262 = arith.constant 768 : i32
    %broadcast_in_dim3A_263 = vector.broadcast %jit3A_262 : i32 to vector<256x768xi32>
    %select_n3A_264 = arith.select %eq3A_261, %iota3A_212, %broadcast_in_dim3A_263 : vector<256x768xi1>, vector<256x768xi32>
    %reduce_min3A_265 = arith.constant dense<2147483647> : vector<256xi32>
    %reduce_min3A_266 = vector.multi_reduction <minsi>, %select_n3A_264, %reduce_min3A_265 [1] : vector<256x768xi32> to vector<256xi32>
    %broadcast_in_dim3A_267 = vector.shape_cast %reduce_min3A_266 : vector<256xi32> to vector<256x1xi32>
    %eq3A_268 = vector.broadcast %broadcast_in_dim3A_267 : vector<256x1xi32> to vector<256x768xi32>
    %eq3A_269 = arith.cmpi eq, %iota3A_212, %eq3A_268 : vector<256x768xi32>
    %jit3A_270 = arith.constant 0 : i32
    %broadcast_in_dim3A_271 = vector.broadcast %jit3A_270 : i32 to vector<256x768xi32>
    %select_n3A_272 = arith.select %eq3A_269, %concatenate3A_211, %broadcast_in_dim3A_271 : vector<256x768xi1>, vector<256x768xi32>
    %reduce_sum3A_273 = arith.constant dense<0> : vector<256xi32>
    %reduce_sum3A_274 = vector.multi_reduction <add>, %select_n3A_272, %reduce_sum3A_273 [1] : vector<256x768xi32> to vector<256xi32>
    %broadcast_in_dim3A_275 = vector.shape_cast %reduce_sum3A_274 : vector<256xi32> to vector<256x1xi32>
    %jit3A_276 = arith.constant 0xFF800000 : f32
    %broadcast_in_dim3A_277 = vector.broadcast %jit3A_276 : f32 to vector<256x768xf32>
    %select_n3A_278 = arith.select %eq3A_269, %broadcast_in_dim3A_277, %select_n3A_256 : vector<256x768xi1>, vector<256x768xf32>
    %reduce_max3A_279 = arith.constant dense<0xFF800000> : vector<256xf32>
    %reduce_max3A_280 = vector.multi_reduction <maximumf>, %select_n3A_278, %reduce_max3A_279 [1] : vector<256x768xf32> to vector<256xf32>
    %broadcast_in_dim3A_281 = vector.shape_cast %reduce_max3A_280 : vector<256xf32> to vector<256x1xf32>
    %eq3A_282 = vector.broadcast %broadcast_in_dim3A_281 : vector<256x1xf32> to vector<256x768xf32>
    %eq3A_283 = arith.cmpf oeq, %select_n3A_278, %eq3A_282 : vector<256x768xf32>
    %jit3A_284 = arith.constant 768 : i32
    %broadcast_in_dim3A_285 = vector.broadcast %jit3A_284 : i32 to vector<256x768xi32>
    %select_n3A_286 = arith.select %eq3A_283, %iota3A_212, %broadcast_in_dim3A_285 : vector<256x768xi1>, vector<256x768xi32>
    %reduce_min3A_287 = arith.constant dense<2147483647> : vector<256xi32>
    %reduce_min3A_288 = vector.multi_reduction <minsi>, %select_n3A_286, %reduce_min3A_287 [1] : vector<256x768xi32> to vector<256xi32>
    %broadcast_in_dim3A_289 = vector.shape_cast %reduce_min3A_288 : vector<256xi32> to vector<256x1xi32>
    %eq3A_290 = vector.broadcast %broadcast_in_dim3A_289 : vector<256x1xi32> to vector<256x768xi32>
    %eq3A_291 = arith.cmpi eq, %iota3A_212, %eq3A_290 : vector<256x768xi32>
    %jit3A_292 = arith.constant 0 : i32
    %broadcast_in_dim3A_293 = vector.broadcast %jit3A_292 : i32 to vector<256x768xi32>
    %select_n3A_294 = arith.select %eq3A_291, %concatenate3A_211, %broadcast_in_dim3A_293 : vector<256x768xi1>, vector<256x768xi32>
    %reduce_sum3A_295 = arith.constant dense<0> : vector<256xi32>
    %reduce_sum3A_296 = vector.multi_reduction <add>, %select_n3A_294, %reduce_sum3A_295 [1] : vector<256x768xi32> to vector<256xi32>
    %broadcast_in_dim3A_297 = vector.shape_cast %reduce_sum3A_296 : vector<256xi32> to vector<256x1xi32>
    %jit3A_298 = arith.constant 0xFF800000 : f32
    %broadcast_in_dim3A_299 = vector.broadcast %jit3A_298 : f32 to vector<256x768xf32>
    %select_n3A_300 = arith.select %eq3A_291, %broadcast_in_dim3A_299, %select_n3A_278 : vector<256x768xi1>, vector<256x768xf32>
    %reduce_max3A_301 = arith.constant dense<0xFF800000> : vector<256xf32>
    %reduce_max3A_302 = vector.multi_reduction <maximumf>, %select_n3A_300, %reduce_max3A_301 [1] : vector<256x768xf32> to vector<256xf32>
    %broadcast_in_dim3A_303 = vector.shape_cast %reduce_max3A_302 : vector<256xf32> to vector<256x1xf32>
    %eq3A_304 = vector.broadcast %broadcast_in_dim3A_303 : vector<256x1xf32> to vector<256x768xf32>
    %eq3A_305 = arith.cmpf oeq, %select_n3A_300, %eq3A_304 : vector<256x768xf32>
    %jit3A_306 = arith.constant 768 : i32
    %broadcast_in_dim3A_307 = vector.broadcast %jit3A_306 : i32 to vector<256x768xi32>
    %select_n3A_308 = arith.select %eq3A_305, %iota3A_212, %broadcast_in_dim3A_307 : vector<256x768xi1>, vector<256x768xi32>
    %reduce_min3A_309 = arith.constant dense<2147483647> : vector<256xi32>
    %reduce_min3A_310 = vector.multi_reduction <minsi>, %select_n3A_308, %reduce_min3A_309 [1] : vector<256x768xi32> to vector<256xi32>
    %broadcast_in_dim3A_311 = vector.shape_cast %reduce_min3A_310 : vector<256xi32> to vector<256x1xi32>
    %eq3A_312 = vector.broadcast %broadcast_in_dim3A_311 : vector<256x1xi32> to vector<256x768xi32>
    %eq3A_313 = arith.cmpi eq, %iota3A_212, %eq3A_312 : vector<256x768xi32>
    %jit3A_314 = arith.constant 0 : i32
    %broadcast_in_dim3A_315 = vector.broadcast %jit3A_314 : i32 to vector<256x768xi32>
    %select_n3A_316 = arith.select %eq3A_313, %concatenate3A_211, %broadcast_in_dim3A_315 : vector<256x768xi1>, vector<256x768xi32>
    %reduce_sum3A_317 = arith.constant dense<0> : vector<256xi32>
    %reduce_sum3A_318 = vector.multi_reduction <add>, %select_n3A_316, %reduce_sum3A_317 [1] : vector<256x768xi32> to vector<256xi32>
    %broadcast_in_dim3A_319 = vector.shape_cast %reduce_sum3A_318 : vector<256xi32> to vector<256x1xi32>
    %jit3A_320 = arith.constant 0xFF800000 : f32
    %broadcast_in_dim3A_321 = vector.broadcast %jit3A_320 : f32 to vector<256x768xf32>
    %select_n3A_322 = arith.select %eq3A_313, %broadcast_in_dim3A_321, %select_n3A_300 : vector<256x768xi1>, vector<256x768xf32>
    %reduce_max3A_323 = arith.constant dense<0xFF800000> : vector<256xf32>
    %reduce_max3A_324 = vector.multi_reduction <maximumf>, %select_n3A_322, %reduce_max3A_323 [1] : vector<256x768xf32> to vector<256xf32>
    %broadcast_in_dim3A_325 = vector.shape_cast %reduce_max3A_324 : vector<256xf32> to vector<256x1xf32>
    %eq3A_326 = vector.broadcast %broadcast_in_dim3A_325 : vector<256x1xf32> to vector<256x768xf32>
    %eq3A_327 = arith.cmpf oeq, %select_n3A_322, %eq3A_326 : vector<256x768xf32>
    %jit3A_328 = arith.constant 768 : i32
    %broadcast_in_dim3A_329 = vector.broadcast %jit3A_328 : i32 to vector<256x768xi32>
    %select_n3A_330 = arith.select %eq3A_327, %iota3A_212, %broadcast_in_dim3A_329 : vector<256x768xi1>, vector<256x768xi32>
    %reduce_min3A_331 = arith.constant dense<2147483647> : vector<256xi32>
    %reduce_min3A_332 = vector.multi_reduction <minsi>, %select_n3A_330, %reduce_min3A_331 [1] : vector<256x768xi32> to vector<256xi32>
    %broadcast_in_dim3A_333 = vector.shape_cast %reduce_min3A_332 : vector<256xi32> to vector<256x1xi32>
    %eq3A_334 = vector.broadcast %broadcast_in_dim3A_333 : vector<256x1xi32> to vector<256x768xi32>
    %eq3A_335 = arith.cmpi eq, %iota3A_212, %eq3A_334 : vector<256x768xi32>
    %jit3A_336 = arith.constant 0 : i32
    %broadcast_in_dim3A_337 = vector.broadcast %jit3A_336 : i32 to vector<256x768xi32>
    %select_n3A_338 = arith.select %eq3A_335, %concatenate3A_211, %broadcast_in_dim3A_337 : vector<256x768xi1>, vector<256x768xi32>
    %reduce_sum3A_339 = arith.constant dense<0> : vector<256xi32>
    %reduce_sum3A_340 = vector.multi_reduction <add>, %select_n3A_338, %reduce_sum3A_339 [1] : vector<256x768xi32> to vector<256xi32>
    %broadcast_in_dim3A_341 = vector.shape_cast %reduce_sum3A_340 : vector<256xi32> to vector<256x1xi32>
    %jit3A_342 = arith.constant 0xFF800000 : f32
    %broadcast_in_dim3A_343 = vector.broadcast %jit3A_342 : f32 to vector<256x768xf32>
    %select_n3A_344 = arith.select %eq3A_335, %broadcast_in_dim3A_343, %select_n3A_322 : vector<256x768xi1>, vector<256x768xf32>
    %reduce_max3A_345 = arith.constant dense<0xFF800000> : vector<256xf32>
    %reduce_max3A_346 = vector.multi_reduction <maximumf>, %select_n3A_344, %reduce_max3A_345 [1] : vector<256x768xf32> to vector<256xf32>
    %broadcast_in_dim3A_347 = vector.shape_cast %reduce_max3A_346 : vector<256xf32> to vector<256x1xf32>
    %eq3A_348 = vector.broadcast %broadcast_in_dim3A_347 : vector<256x1xf32> to vector<256x768xf32>
    %eq3A_349 = arith.cmpf oeq, %select_n3A_344, %eq3A_348 : vector<256x768xf32>
    %jit3A_350 = arith.constant 768 : i32
    %broadcast_in_dim3A_351 = vector.broadcast %jit3A_350 : i32 to vector<256x768xi32>
    %select_n3A_352 = arith.select %eq3A_349, %iota3A_212, %broadcast_in_dim3A_351 : vector<256x768xi1>, vector<256x768xi32>
    %reduce_min3A_353 = arith.constant dense<2147483647> : vector<256xi32>
    %reduce_min3A_354 = vector.multi_reduction <minsi>, %select_n3A_352, %reduce_min3A_353 [1] : vector<256x768xi32> to vector<256xi32>
    %broadcast_in_dim3A_355 = vector.shape_cast %reduce_min3A_354 : vector<256xi32> to vector<256x1xi32>
    %eq3A_356 = vector.broadcast %broadcast_in_dim3A_355 : vector<256x1xi32> to vector<256x768xi32>
    %eq3A_357 = arith.cmpi eq, %iota3A_212, %eq3A_356 : vector<256x768xi32>
    %jit3A_358 = arith.constant 0 : i32
    %broadcast_in_dim3A_359 = vector.broadcast %jit3A_358 : i32 to vector<256x768xi32>
    %select_n3A_360 = arith.select %eq3A_357, %concatenate3A_211, %broadcast_in_dim3A_359 : vector<256x768xi1>, vector<256x768xi32>
    %reduce_sum3A_361 = arith.constant dense<0> : vector<256xi32>
    %reduce_sum3A_362 = vector.multi_reduction <add>, %select_n3A_360, %reduce_sum3A_361 [1] : vector<256x768xi32> to vector<256xi32>
    %broadcast_in_dim3A_363 = vector.shape_cast %reduce_sum3A_362 : vector<256xi32> to vector<256x1xi32>
    %jit3A_364 = arith.constant 0xFF800000 : f32
    %broadcast_in_dim3A_365 = vector.broadcast %jit3A_364 : f32 to vector<256x768xf32>
    %select_n3A_366 = arith.select %eq3A_357, %broadcast_in_dim3A_365, %select_n3A_344 : vector<256x768xi1>, vector<256x768xf32>
    %reduce_max3A_367 = arith.constant dense<0xFF800000> : vector<256xf32>
    %reduce_max3A_368 = vector.multi_reduction <maximumf>, %select_n3A_366, %reduce_max3A_367 [1] : vector<256x768xf32> to vector<256xf32>
    %broadcast_in_dim3A_369 = vector.shape_cast %reduce_max3A_368 : vector<256xf32> to vector<256x1xf32>
    %eq3A_370 = vector.broadcast %broadcast_in_dim3A_369 : vector<256x1xf32> to vector<256x768xf32>
    %eq3A_371 = arith.cmpf oeq, %select_n3A_366, %eq3A_370 : vector<256x768xf32>
    %jit3A_372 = arith.constant 768 : i32
    %broadcast_in_dim3A_373 = vector.broadcast %jit3A_372 : i32 to vector<256x768xi32>
    %select_n3A_374 = arith.select %eq3A_371, %iota3A_212, %broadcast_in_dim3A_373 : vector<256x768xi1>, vector<256x768xi32>
    %reduce_min3A_375 = arith.constant dense<2147483647> : vector<256xi32>
    %reduce_min3A_376 = vector.multi_reduction <minsi>, %select_n3A_374, %reduce_min3A_375 [1] : vector<256x768xi32> to vector<256xi32>
    %broadcast_in_dim3A_377 = vector.shape_cast %reduce_min3A_376 : vector<256xi32> to vector<256x1xi32>
    %eq3A_378 = vector.broadcast %broadcast_in_dim3A_377 : vector<256x1xi32> to vector<256x768xi32>
    %eq3A_379 = arith.cmpi eq, %iota3A_212, %eq3A_378 : vector<256x768xi32>
    %jit3A_380 = arith.constant 0 : i32
    %broadcast_in_dim3A_381 = vector.broadcast %jit3A_380 : i32 to vector<256x768xi32>
    %select_n3A_382 = arith.select %eq3A_379, %concatenate3A_211, %broadcast_in_dim3A_381 : vector<256x768xi1>, vector<256x768xi32>
    %reduce_sum3A_383 = arith.constant dense<0> : vector<256xi32>
    %reduce_sum3A_384 = vector.multi_reduction <add>, %select_n3A_382, %reduce_sum3A_383 [1] : vector<256x768xi32> to vector<256xi32>
    %broadcast_in_dim3A_385 = vector.shape_cast %reduce_sum3A_384 : vector<256xi32> to vector<256x1xi32>
    %jit3A_386 = arith.constant 0xFF800000 : f32
    %broadcast_in_dim3A_387 = vector.broadcast %jit3A_386 : f32 to vector<256x768xf32>
    %select_n3A_388 = arith.select %eq3A_379, %broadcast_in_dim3A_387, %select_n3A_366 : vector<256x768xi1>, vector<256x768xf32>
    %reduce_max3A_389 = arith.constant dense<0xFF800000> : vector<256xf32>
    %reduce_max3A_390 = vector.multi_reduction <maximumf>, %select_n3A_388, %reduce_max3A_389 [1] : vector<256x768xf32> to vector<256xf32>
    %broadcast_in_dim3A_391 = vector.shape_cast %reduce_max3A_390 : vector<256xf32> to vector<256x1xf32>
    %eq3A_392 = vector.broadcast %broadcast_in_dim3A_391 : vector<256x1xf32> to vector<256x768xf32>
    %eq3A_393 = arith.cmpf oeq, %select_n3A_388, %eq3A_392 : vector<256x768xf32>
    %jit3A_394 = arith.constant 768 : i32
    %broadcast_in_dim3A_395 = vector.broadcast %jit3A_394 : i32 to vector<256x768xi32>
    %select_n3A_396 = arith.select %eq3A_393, %iota3A_212, %broadcast_in_dim3A_395 : vector<256x768xi1>, vector<256x768xi32>
    %reduce_min3A_397 = arith.constant dense<2147483647> : vector<256xi32>
    %reduce_min3A_398 = vector.multi_reduction <minsi>, %select_n3A_396, %reduce_min3A_397 [1] : vector<256x768xi32> to vector<256xi32>
    %broadcast_in_dim3A_399 = vector.shape_cast %reduce_min3A_398 : vector<256xi32> to vector<256x1xi32>
    %eq3A_400 = vector.broadcast %broadcast_in_dim3A_399 : vector<256x1xi32> to vector<256x768xi32>
    %eq3A_401 = arith.cmpi eq, %iota3A_212, %eq3A_400 : vector<256x768xi32>
    %jit3A_402 = arith.constant 0 : i32
    %broadcast_in_dim3A_403 = vector.broadcast %jit3A_402 : i32 to vector<256x768xi32>
    %select_n3A_404 = arith.select %eq3A_401, %concatenate3A_211, %broadcast_in_dim3A_403 : vector<256x768xi1>, vector<256x768xi32>
    %reduce_sum3A_405 = arith.constant dense<0> : vector<256xi32>
    %reduce_sum3A_406 = vector.multi_reduction <add>, %select_n3A_404, %reduce_sum3A_405 [1] : vector<256x768xi32> to vector<256xi32>
    %broadcast_in_dim3A_407 = vector.shape_cast %reduce_sum3A_406 : vector<256xi32> to vector<256x1xi32>
    %jit3A_408 = arith.constant 0xFF800000 : f32
    %broadcast_in_dim3A_409 = vector.broadcast %jit3A_408 : f32 to vector<256x768xf32>
    %select_n3A_410 = arith.select %eq3A_401, %broadcast_in_dim3A_409, %select_n3A_388 : vector<256x768xi1>, vector<256x768xf32>
    %reduce_max3A_411 = arith.constant dense<0xFF800000> : vector<256xf32>
    %reduce_max3A_412 = vector.multi_reduction <maximumf>, %select_n3A_410, %reduce_max3A_411 [1] : vector<256x768xf32> to vector<256xf32>
    %broadcast_in_dim3A_413 = vector.shape_cast %reduce_max3A_412 : vector<256xf32> to vector<256x1xf32>
    %eq3A_414 = vector.broadcast %broadcast_in_dim3A_413 : vector<256x1xf32> to vector<256x768xf32>
    %eq3A_415 = arith.cmpf oeq, %select_n3A_410, %eq3A_414 : vector<256x768xf32>
    %jit3A_416 = arith.constant 768 : i32
    %broadcast_in_dim3A_417 = vector.broadcast %jit3A_416 : i32 to vector<256x768xi32>
    %select_n3A_418 = arith.select %eq3A_415, %iota3A_212, %broadcast_in_dim3A_417 : vector<256x768xi1>, vector<256x768xi32>
    %reduce_min3A_419 = arith.constant dense<2147483647> : vector<256xi32>
    %reduce_min3A_420 = vector.multi_reduction <minsi>, %select_n3A_418, %reduce_min3A_419 [1] : vector<256x768xi32> to vector<256xi32>
    %broadcast_in_dim3A_421 = vector.shape_cast %reduce_min3A_420 : vector<256xi32> to vector<256x1xi32>
    %eq3A_422 = vector.broadcast %broadcast_in_dim3A_421 : vector<256x1xi32> to vector<256x768xi32>
    %eq3A_423 = arith.cmpi eq, %iota3A_212, %eq3A_422 : vector<256x768xi32>
    %jit3A_424 = arith.constant 0 : i32
    %broadcast_in_dim3A_425 = vector.broadcast %jit3A_424 : i32 to vector<256x768xi32>
    %select_n3A_426 = arith.select %eq3A_423, %concatenate3A_211, %broadcast_in_dim3A_425 : vector<256x768xi1>, vector<256x768xi32>
    %reduce_sum3A_427 = arith.constant dense<0> : vector<256xi32>
    %reduce_sum3A_428 = vector.multi_reduction <add>, %select_n3A_426, %reduce_sum3A_427 [1] : vector<256x768xi32> to vector<256xi32>
    %broadcast_in_dim3A_429 = vector.shape_cast %reduce_sum3A_428 : vector<256xi32> to vector<256x1xi32>
    %jit3A_430 = arith.constant 0xFF800000 : f32
    %broadcast_in_dim3A_431 = vector.broadcast %jit3A_430 : f32 to vector<256x768xf32>
    %select_n3A_432 = arith.select %eq3A_423, %broadcast_in_dim3A_431, %select_n3A_410 : vector<256x768xi1>, vector<256x768xf32>
    %reduce_max3A_433 = arith.constant dense<0xFF800000> : vector<256xf32>
    %reduce_max3A_434 = vector.multi_reduction <maximumf>, %select_n3A_432, %reduce_max3A_433 [1] : vector<256x768xf32> to vector<256xf32>
    %broadcast_in_dim3A_435 = vector.shape_cast %reduce_max3A_434 : vector<256xf32> to vector<256x1xf32>
    %eq3A_436 = vector.broadcast %broadcast_in_dim3A_435 : vector<256x1xf32> to vector<256x768xf32>
    %eq3A_437 = arith.cmpf oeq, %select_n3A_432, %eq3A_436 : vector<256x768xf32>
    %jit3A_438 = arith.constant 768 : i32
    %broadcast_in_dim3A_439 = vector.broadcast %jit3A_438 : i32 to vector<256x768xi32>
    %select_n3A_440 = arith.select %eq3A_437, %iota3A_212, %broadcast_in_dim3A_439 : vector<256x768xi1>, vector<256x768xi32>
    %reduce_min3A_441 = arith.constant dense<2147483647> : vector<256xi32>
    %reduce_min3A_442 = vector.multi_reduction <minsi>, %select_n3A_440, %reduce_min3A_441 [1] : vector<256x768xi32> to vector<256xi32>
    %broadcast_in_dim3A_443 = vector.shape_cast %reduce_min3A_442 : vector<256xi32> to vector<256x1xi32>
    %eq3A_444 = vector.broadcast %broadcast_in_dim3A_443 : vector<256x1xi32> to vector<256x768xi32>
    %eq3A_445 = arith.cmpi eq, %iota3A_212, %eq3A_444 : vector<256x768xi32>
    %jit3A_446 = arith.constant 0 : i32
    %broadcast_in_dim3A_447 = vector.broadcast %jit3A_446 : i32 to vector<256x768xi32>
    %select_n3A_448 = arith.select %eq3A_445, %concatenate3A_211, %broadcast_in_dim3A_447 : vector<256x768xi1>, vector<256x768xi32>
    %reduce_sum3A_449 = arith.constant dense<0> : vector<256xi32>
    %reduce_sum3A_450 = vector.multi_reduction <add>, %select_n3A_448, %reduce_sum3A_449 [1] : vector<256x768xi32> to vector<256xi32>
    %broadcast_in_dim3A_451 = vector.shape_cast %reduce_sum3A_450 : vector<256xi32> to vector<256x1xi32>
    %jit3A_452 = arith.constant 0xFF800000 : f32
    %broadcast_in_dim3A_453 = vector.broadcast %jit3A_452 : f32 to vector<256x768xf32>
    %select_n3A_454 = arith.select %eq3A_445, %broadcast_in_dim3A_453, %select_n3A_432 : vector<256x768xi1>, vector<256x768xf32>
    %reduce_max3A_455 = arith.constant dense<0xFF800000> : vector<256xf32>
    %reduce_max3A_456 = vector.multi_reduction <maximumf>, %select_n3A_454, %reduce_max3A_455 [1] : vector<256x768xf32> to vector<256xf32>
    %broadcast_in_dim3A_457 = vector.shape_cast %reduce_max3A_456 : vector<256xf32> to vector<256x1xf32>
    %eq3A_458 = vector.broadcast %broadcast_in_dim3A_457 : vector<256x1xf32> to vector<256x768xf32>
    %eq3A_459 = arith.cmpf oeq, %select_n3A_454, %eq3A_458 : vector<256x768xf32>
    %jit3A_460 = arith.constant 768 : i32
    %broadcast_in_dim3A_461 = vector.broadcast %jit3A_460 : i32 to vector<256x768xi32>
    %select_n3A_462 = arith.select %eq3A_459, %iota3A_212, %broadcast_in_dim3A_461 : vector<256x768xi1>, vector<256x768xi32>
    %reduce_min3A_463 = arith.constant dense<2147483647> : vector<256xi32>
    %reduce_min3A_464 = vector.multi_reduction <minsi>, %select_n3A_462, %reduce_min3A_463 [1] : vector<256x768xi32> to vector<256xi32>
    %broadcast_in_dim3A_465 = vector.shape_cast %reduce_min3A_464 : vector<256xi32> to vector<256x1xi32>
    %eq3A_466 = vector.broadcast %broadcast_in_dim3A_465 : vector<256x1xi32> to vector<256x768xi32>
    %eq3A_467 = arith.cmpi eq, %iota3A_212, %eq3A_466 : vector<256x768xi32>
    %jit3A_468 = arith.constant 0 : i32
    %broadcast_in_dim3A_469 = vector.broadcast %jit3A_468 : i32 to vector<256x768xi32>
    %select_n3A_470 = arith.select %eq3A_467, %concatenate3A_211, %broadcast_in_dim3A_469 : vector<256x768xi1>, vector<256x768xi32>
    %reduce_sum3A_471 = arith.constant dense<0> : vector<256xi32>
    %reduce_sum3A_472 = vector.multi_reduction <add>, %select_n3A_470, %reduce_sum3A_471 [1] : vector<256x768xi32> to vector<256xi32>
    %broadcast_in_dim3A_473 = vector.shape_cast %reduce_sum3A_472 : vector<256xi32> to vector<256x1xi32>
    %jit3A_474 = arith.constant 0xFF800000 : f32
    %broadcast_in_dim3A_475 = vector.broadcast %jit3A_474 : f32 to vector<256x768xf32>
    %select_n3A_476 = arith.select %eq3A_467, %broadcast_in_dim3A_475, %select_n3A_454 : vector<256x768xi1>, vector<256x768xf32>
    %reduce_max3A_477 = arith.constant dense<0xFF800000> : vector<256xf32>
    %reduce_max3A_478 = vector.multi_reduction <maximumf>, %select_n3A_476, %reduce_max3A_477 [1] : vector<256x768xf32> to vector<256xf32>
    %broadcast_in_dim3A_479 = vector.shape_cast %reduce_max3A_478 : vector<256xf32> to vector<256x1xf32>
    %eq3A_480 = vector.broadcast %broadcast_in_dim3A_479 : vector<256x1xf32> to vector<256x768xf32>
    %eq3A_481 = arith.cmpf oeq, %select_n3A_476, %eq3A_480 : vector<256x768xf32>
    %jit3A_482 = arith.constant 768 : i32
    %broadcast_in_dim3A_483 = vector.broadcast %jit3A_482 : i32 to vector<256x768xi32>
    %select_n3A_484 = arith.select %eq3A_481, %iota3A_212, %broadcast_in_dim3A_483 : vector<256x768xi1>, vector<256x768xi32>
    %reduce_min3A_485 = arith.constant dense<2147483647> : vector<256xi32>
    %reduce_min3A_486 = vector.multi_reduction <minsi>, %select_n3A_484, %reduce_min3A_485 [1] : vector<256x768xi32> to vector<256xi32>
    %broadcast_in_dim3A_487 = vector.shape_cast %reduce_min3A_486 : vector<256xi32> to vector<256x1xi32>
    %eq3A_488 = vector.broadcast %broadcast_in_dim3A_487 : vector<256x1xi32> to vector<256x768xi32>
    %eq3A_489 = arith.cmpi eq, %iota3A_212, %eq3A_488 : vector<256x768xi32>
    %jit3A_490 = arith.constant 0 : i32
    %broadcast_in_dim3A_491 = vector.broadcast %jit3A_490 : i32 to vector<256x768xi32>
    %select_n3A_492 = arith.select %eq3A_489, %concatenate3A_211, %broadcast_in_dim3A_491 : vector<256x768xi1>, vector<256x768xi32>
    %reduce_sum3A_493 = arith.constant dense<0> : vector<256xi32>
    %reduce_sum3A_494 = vector.multi_reduction <add>, %select_n3A_492, %reduce_sum3A_493 [1] : vector<256x768xi32> to vector<256xi32>
    %broadcast_in_dim3A_495 = vector.shape_cast %reduce_sum3A_494 : vector<256xi32> to vector<256x1xi32>
    %jit3A_496 = arith.constant 0xFF800000 : f32
    %broadcast_in_dim3A_497 = vector.broadcast %jit3A_496 : f32 to vector<256x768xf32>
    %select_n3A_498 = arith.select %eq3A_489, %broadcast_in_dim3A_497, %select_n3A_476 : vector<256x768xi1>, vector<256x768xf32>
    %reduce_max3A_499 = arith.constant dense<0xFF800000> : vector<256xf32>
    %reduce_max3A_500 = vector.multi_reduction <maximumf>, %select_n3A_498, %reduce_max3A_499 [1] : vector<256x768xf32> to vector<256xf32>
    %broadcast_in_dim3A_501 = vector.shape_cast %reduce_max3A_500 : vector<256xf32> to vector<256x1xf32>
    %eq3A_502 = vector.broadcast %broadcast_in_dim3A_501 : vector<256x1xf32> to vector<256x768xf32>
    %eq3A_503 = arith.cmpf oeq, %select_n3A_498, %eq3A_502 : vector<256x768xf32>
    %jit3A_504 = arith.constant 768 : i32
    %broadcast_in_dim3A_505 = vector.broadcast %jit3A_504 : i32 to vector<256x768xi32>
    %select_n3A_506 = arith.select %eq3A_503, %iota3A_212, %broadcast_in_dim3A_505 : vector<256x768xi1>, vector<256x768xi32>
    %reduce_min3A_507 = arith.constant dense<2147483647> : vector<256xi32>
    %reduce_min3A_508 = vector.multi_reduction <minsi>, %select_n3A_506, %reduce_min3A_507 [1] : vector<256x768xi32> to vector<256xi32>
    %broadcast_in_dim3A_509 = vector.shape_cast %reduce_min3A_508 : vector<256xi32> to vector<256x1xi32>
    %eq3A_510 = vector.broadcast %broadcast_in_dim3A_509 : vector<256x1xi32> to vector<256x768xi32>
    %eq3A_511 = arith.cmpi eq, %iota3A_212, %eq3A_510 : vector<256x768xi32>
    %jit3A_512 = arith.constant 0 : i32
    %broadcast_in_dim3A_513 = vector.broadcast %jit3A_512 : i32 to vector<256x768xi32>
    %select_n3A_514 = arith.select %eq3A_511, %concatenate3A_211, %broadcast_in_dim3A_513 : vector<256x768xi1>, vector<256x768xi32>
    %reduce_sum3A_515 = arith.constant dense<0> : vector<256xi32>
    %reduce_sum3A_516 = vector.multi_reduction <add>, %select_n3A_514, %reduce_sum3A_515 [1] : vector<256x768xi32> to vector<256xi32>
    %broadcast_in_dim3A_517 = vector.shape_cast %reduce_sum3A_516 : vector<256xi32> to vector<256x1xi32>
    %jit3A_518 = arith.constant 0xFF800000 : f32
    %broadcast_in_dim3A_519 = vector.broadcast %jit3A_518 : f32 to vector<256x768xf32>
    %select_n3A_520 = arith.select %eq3A_511, %broadcast_in_dim3A_519, %select_n3A_498 : vector<256x768xi1>, vector<256x768xf32>
    %reduce_max3A_521 = arith.constant dense<0xFF800000> : vector<256xf32>
    %reduce_max3A_522 = vector.multi_reduction <maximumf>, %select_n3A_520, %reduce_max3A_521 [1] : vector<256x768xf32> to vector<256xf32>
    %broadcast_in_dim3A_523 = vector.shape_cast %reduce_max3A_522 : vector<256xf32> to vector<256x1xf32>
    %eq3A_524 = vector.broadcast %broadcast_in_dim3A_523 : vector<256x1xf32> to vector<256x768xf32>
    %eq3A_525 = arith.cmpf oeq, %select_n3A_520, %eq3A_524 : vector<256x768xf32>
    %jit3A_526 = arith.constant 768 : i32
    %broadcast_in_dim3A_527 = vector.broadcast %jit3A_526 : i32 to vector<256x768xi32>
    %select_n3A_528 = arith.select %eq3A_525, %iota3A_212, %broadcast_in_dim3A_527 : vector<256x768xi1>, vector<256x768xi32>
    %reduce_min3A_529 = arith.constant dense<2147483647> : vector<256xi32>
    %reduce_min3A_530 = vector.multi_reduction <minsi>, %select_n3A_528, %reduce_min3A_529 [1] : vector<256x768xi32> to vector<256xi32>
    %broadcast_in_dim3A_531 = vector.shape_cast %reduce_min3A_530 : vector<256xi32> to vector<256x1xi32>
    %eq3A_532 = vector.broadcast %broadcast_in_dim3A_531 : vector<256x1xi32> to vector<256x768xi32>
    %eq3A_533 = arith.cmpi eq, %iota3A_212, %eq3A_532 : vector<256x768xi32>
    %jit3A_534 = arith.constant 0 : i32
    %broadcast_in_dim3A_535 = vector.broadcast %jit3A_534 : i32 to vector<256x768xi32>
    %select_n3A_536 = arith.select %eq3A_533, %concatenate3A_211, %broadcast_in_dim3A_535 : vector<256x768xi1>, vector<256x768xi32>
    %reduce_sum3A_537 = arith.constant dense<0> : vector<256xi32>
    %reduce_sum3A_538 = vector.multi_reduction <add>, %select_n3A_536, %reduce_sum3A_537 [1] : vector<256x768xi32> to vector<256xi32>
    %broadcast_in_dim3A_539 = vector.shape_cast %reduce_sum3A_538 : vector<256xi32> to vector<256x1xi32>
    %jit3A_540 = arith.constant 0xFF800000 : f32
    %broadcast_in_dim3A_541 = vector.broadcast %jit3A_540 : f32 to vector<256x768xf32>
    %select_n3A_542 = arith.select %eq3A_533, %broadcast_in_dim3A_541, %select_n3A_520 : vector<256x768xi1>, vector<256x768xf32>
    %reduce_max3A_543 = arith.constant dense<0xFF800000> : vector<256xf32>
    %reduce_max3A_544 = vector.multi_reduction <maximumf>, %select_n3A_542, %reduce_max3A_543 [1] : vector<256x768xf32> to vector<256xf32>
    %broadcast_in_dim3A_545 = vector.shape_cast %reduce_max3A_544 : vector<256xf32> to vector<256x1xf32>
    %eq3A_546 = vector.broadcast %broadcast_in_dim3A_545 : vector<256x1xf32> to vector<256x768xf32>
    %eq3A_547 = arith.cmpf oeq, %select_n3A_542, %eq3A_546 : vector<256x768xf32>
    %jit3A_548 = arith.constant 768 : i32
    %broadcast_in_dim3A_549 = vector.broadcast %jit3A_548 : i32 to vector<256x768xi32>
    %select_n3A_550 = arith.select %eq3A_547, %iota3A_212, %broadcast_in_dim3A_549 : vector<256x768xi1>, vector<256x768xi32>
    %reduce_min3A_551 = arith.constant dense<2147483647> : vector<256xi32>
    %reduce_min3A_552 = vector.multi_reduction <minsi>, %select_n3A_550, %reduce_min3A_551 [1] : vector<256x768xi32> to vector<256xi32>
    %broadcast_in_dim3A_553 = vector.shape_cast %reduce_min3A_552 : vector<256xi32> to vector<256x1xi32>
    %eq3A_554 = vector.broadcast %broadcast_in_dim3A_553 : vector<256x1xi32> to vector<256x768xi32>
    %eq3A_555 = arith.cmpi eq, %iota3A_212, %eq3A_554 : vector<256x768xi32>
    %jit3A_556 = arith.constant 0 : i32
    %broadcast_in_dim3A_557 = vector.broadcast %jit3A_556 : i32 to vector<256x768xi32>
    %select_n3A_558 = arith.select %eq3A_555, %concatenate3A_211, %broadcast_in_dim3A_557 : vector<256x768xi1>, vector<256x768xi32>
    %reduce_sum3A_559 = arith.constant dense<0> : vector<256xi32>
    %reduce_sum3A_560 = vector.multi_reduction <add>, %select_n3A_558, %reduce_sum3A_559 [1] : vector<256x768xi32> to vector<256xi32>
    %broadcast_in_dim3A_561 = vector.shape_cast %reduce_sum3A_560 : vector<256xi32> to vector<256x1xi32>
    %jit3A_562 = arith.constant 0xFF800000 : f32
    %broadcast_in_dim3A_563 = vector.broadcast %jit3A_562 : f32 to vector<256x768xf32>
    %select_n3A_564 = arith.select %eq3A_555, %broadcast_in_dim3A_563, %select_n3A_542 : vector<256x768xi1>, vector<256x768xf32>
    %reduce_max3A_565 = arith.constant dense<0xFF800000> : vector<256xf32>
    %reduce_max3A_566 = vector.multi_reduction <maximumf>, %select_n3A_564, %reduce_max3A_565 [1] : vector<256x768xf32> to vector<256xf32>
    %broadcast_in_dim3A_567 = vector.shape_cast %reduce_max3A_566 : vector<256xf32> to vector<256x1xf32>
    %eq3A_568 = vector.broadcast %broadcast_in_dim3A_567 : vector<256x1xf32> to vector<256x768xf32>
    %eq3A_569 = arith.cmpf oeq, %select_n3A_564, %eq3A_568 : vector<256x768xf32>
    %jit3A_570 = arith.constant 768 : i32
    %broadcast_in_dim3A_571 = vector.broadcast %jit3A_570 : i32 to vector<256x768xi32>
    %select_n3A_572 = arith.select %eq3A_569, %iota3A_212, %broadcast_in_dim3A_571 : vector<256x768xi1>, vector<256x768xi32>
    %reduce_min3A_573 = arith.constant dense<2147483647> : vector<256xi32>
    %reduce_min3A_574 = vector.multi_reduction <minsi>, %select_n3A_572, %reduce_min3A_573 [1] : vector<256x768xi32> to vector<256xi32>
    %broadcast_in_dim3A_575 = vector.shape_cast %reduce_min3A_574 : vector<256xi32> to vector<256x1xi32>
    %eq3A_576 = vector.broadcast %broadcast_in_dim3A_575 : vector<256x1xi32> to vector<256x768xi32>
    %eq3A_577 = arith.cmpi eq, %iota3A_212, %eq3A_576 : vector<256x768xi32>
    %jit3A_578 = arith.constant 0 : i32
    %broadcast_in_dim3A_579 = vector.broadcast %jit3A_578 : i32 to vector<256x768xi32>
    %select_n3A_580 = arith.select %eq3A_577, %concatenate3A_211, %broadcast_in_dim3A_579 : vector<256x768xi1>, vector<256x768xi32>
    %reduce_sum3A_581 = arith.constant dense<0> : vector<256xi32>
    %reduce_sum3A_582 = vector.multi_reduction <add>, %select_n3A_580, %reduce_sum3A_581 [1] : vector<256x768xi32> to vector<256xi32>
    %broadcast_in_dim3A_583 = vector.shape_cast %reduce_sum3A_582 : vector<256xi32> to vector<256x1xi32>
    %jit3A_584 = arith.constant 0xFF800000 : f32
    %broadcast_in_dim3A_585 = vector.broadcast %jit3A_584 : f32 to vector<256x768xf32>
    %select_n3A_586 = arith.select %eq3A_577, %broadcast_in_dim3A_585, %select_n3A_564 : vector<256x768xi1>, vector<256x768xf32>
    %reduce_max3A_587 = arith.constant dense<0xFF800000> : vector<256xf32>
    %reduce_max3A_588 = vector.multi_reduction <maximumf>, %select_n3A_586, %reduce_max3A_587 [1] : vector<256x768xf32> to vector<256xf32>
    %broadcast_in_dim3A_589 = vector.shape_cast %reduce_max3A_588 : vector<256xf32> to vector<256x1xf32>
    %eq3A_590 = vector.broadcast %broadcast_in_dim3A_589 : vector<256x1xf32> to vector<256x768xf32>
    %eq3A_591 = arith.cmpf oeq, %select_n3A_586, %eq3A_590 : vector<256x768xf32>
    %jit3A_592 = arith.constant 768 : i32
    %broadcast_in_dim3A_593 = vector.broadcast %jit3A_592 : i32 to vector<256x768xi32>
    %select_n3A_594 = arith.select %eq3A_591, %iota3A_212, %broadcast_in_dim3A_593 : vector<256x768xi1>, vector<256x768xi32>
    %reduce_min3A_595 = arith.constant dense<2147483647> : vector<256xi32>
    %reduce_min3A_596 = vector.multi_reduction <minsi>, %select_n3A_594, %reduce_min3A_595 [1] : vector<256x768xi32> to vector<256xi32>
    %broadcast_in_dim3A_597 = vector.shape_cast %reduce_min3A_596 : vector<256xi32> to vector<256x1xi32>
    %eq3A_598 = vector.broadcast %broadcast_in_dim3A_597 : vector<256x1xi32> to vector<256x768xi32>
    %eq3A_599 = arith.cmpi eq, %iota3A_212, %eq3A_598 : vector<256x768xi32>
    %jit3A_600 = arith.constant 0 : i32
    %broadcast_in_dim3A_601 = vector.broadcast %jit3A_600 : i32 to vector<256x768xi32>
    %select_n3A_602 = arith.select %eq3A_599, %concatenate3A_211, %broadcast_in_dim3A_601 : vector<256x768xi1>, vector<256x768xi32>
    %reduce_sum3A_603 = arith.constant dense<0> : vector<256xi32>
    %reduce_sum3A_604 = vector.multi_reduction <add>, %select_n3A_602, %reduce_sum3A_603 [1] : vector<256x768xi32> to vector<256xi32>
    %broadcast_in_dim3A_605 = vector.shape_cast %reduce_sum3A_604 : vector<256xi32> to vector<256x1xi32>
    %jit3A_606 = arith.constant 0xFF800000 : f32
    %broadcast_in_dim3A_607 = vector.broadcast %jit3A_606 : f32 to vector<256x768xf32>
    %select_n3A_608 = arith.select %eq3A_599, %broadcast_in_dim3A_607, %select_n3A_586 : vector<256x768xi1>, vector<256x768xf32>
    %reduce_max3A_609 = arith.constant dense<0xFF800000> : vector<256xf32>
    %reduce_max3A_610 = vector.multi_reduction <maximumf>, %select_n3A_608, %reduce_max3A_609 [1] : vector<256x768xf32> to vector<256xf32>
    %broadcast_in_dim3A_611 = vector.shape_cast %reduce_max3A_610 : vector<256xf32> to vector<256x1xf32>
    %eq3A_612 = vector.broadcast %broadcast_in_dim3A_611 : vector<256x1xf32> to vector<256x768xf32>
    %eq3A_613 = arith.cmpf oeq, %select_n3A_608, %eq3A_612 : vector<256x768xf32>
    %jit3A_614 = arith.constant 768 : i32
    %broadcast_in_dim3A_615 = vector.broadcast %jit3A_614 : i32 to vector<256x768xi32>
    %select_n3A_616 = arith.select %eq3A_613, %iota3A_212, %broadcast_in_dim3A_615 : vector<256x768xi1>, vector<256x768xi32>
    %reduce_min3A_617 = arith.constant dense<2147483647> : vector<256xi32>
    %reduce_min3A_618 = vector.multi_reduction <minsi>, %select_n3A_616, %reduce_min3A_617 [1] : vector<256x768xi32> to vector<256xi32>
    %broadcast_in_dim3A_619 = vector.shape_cast %reduce_min3A_618 : vector<256xi32> to vector<256x1xi32>
    %eq3A_620 = vector.broadcast %broadcast_in_dim3A_619 : vector<256x1xi32> to vector<256x768xi32>
    %eq3A_621 = arith.cmpi eq, %iota3A_212, %eq3A_620 : vector<256x768xi32>
    %jit3A_622 = arith.constant 0 : i32
    %broadcast_in_dim3A_623 = vector.broadcast %jit3A_622 : i32 to vector<256x768xi32>
    %select_n3A_624 = arith.select %eq3A_621, %concatenate3A_211, %broadcast_in_dim3A_623 : vector<256x768xi1>, vector<256x768xi32>
    %reduce_sum3A_625 = arith.constant dense<0> : vector<256xi32>
    %reduce_sum3A_626 = vector.multi_reduction <add>, %select_n3A_624, %reduce_sum3A_625 [1] : vector<256x768xi32> to vector<256xi32>
    %broadcast_in_dim3A_627 = vector.shape_cast %reduce_sum3A_626 : vector<256xi32> to vector<256x1xi32>
    %jit3A_628 = arith.constant 0xFF800000 : f32
    %broadcast_in_dim3A_629 = vector.broadcast %jit3A_628 : f32 to vector<256x768xf32>
    %select_n3A_630 = arith.select %eq3A_621, %broadcast_in_dim3A_629, %select_n3A_608 : vector<256x768xi1>, vector<256x768xf32>
    %reduce_max3A_631 = arith.constant dense<0xFF800000> : vector<256xf32>
    %reduce_max3A_632 = vector.multi_reduction <maximumf>, %select_n3A_630, %reduce_max3A_631 [1] : vector<256x768xf32> to vector<256xf32>
    %broadcast_in_dim3A_633 = vector.shape_cast %reduce_max3A_632 : vector<256xf32> to vector<256x1xf32>
    %eq3A_634 = vector.broadcast %broadcast_in_dim3A_633 : vector<256x1xf32> to vector<256x768xf32>
    %eq3A_635 = arith.cmpf oeq, %select_n3A_630, %eq3A_634 : vector<256x768xf32>
    %jit3A_636 = arith.constant 768 : i32
    %broadcast_in_dim3A_637 = vector.broadcast %jit3A_636 : i32 to vector<256x768xi32>
    %select_n3A_638 = arith.select %eq3A_635, %iota3A_212, %broadcast_in_dim3A_637 : vector<256x768xi1>, vector<256x768xi32>
    %reduce_min3A_639 = arith.constant dense<2147483647> : vector<256xi32>
    %reduce_min3A_640 = vector.multi_reduction <minsi>, %select_n3A_638, %reduce_min3A_639 [1] : vector<256x768xi32> to vector<256xi32>
    %broadcast_in_dim3A_641 = vector.shape_cast %reduce_min3A_640 : vector<256xi32> to vector<256x1xi32>
    %eq3A_642 = vector.broadcast %broadcast_in_dim3A_641 : vector<256x1xi32> to vector<256x768xi32>
    %eq3A_643 = arith.cmpi eq, %iota3A_212, %eq3A_642 : vector<256x768xi32>
    %jit3A_644 = arith.constant 0 : i32
    %broadcast_in_dim3A_645 = vector.broadcast %jit3A_644 : i32 to vector<256x768xi32>
    %select_n3A_646 = arith.select %eq3A_643, %concatenate3A_211, %broadcast_in_dim3A_645 : vector<256x768xi1>, vector<256x768xi32>
    %reduce_sum3A_647 = arith.constant dense<0> : vector<256xi32>
    %reduce_sum3A_648 = vector.multi_reduction <add>, %select_n3A_646, %reduce_sum3A_647 [1] : vector<256x768xi32> to vector<256xi32>
    %broadcast_in_dim3A_649 = vector.shape_cast %reduce_sum3A_648 : vector<256xi32> to vector<256x1xi32>
    %jit3A_650 = arith.constant 0xFF800000 : f32
    %broadcast_in_dim3A_651 = vector.broadcast %jit3A_650 : f32 to vector<256x768xf32>
    %select_n3A_652 = arith.select %eq3A_643, %broadcast_in_dim3A_651, %select_n3A_630 : vector<256x768xi1>, vector<256x768xf32>
    %reduce_max3A_653 = arith.constant dense<0xFF800000> : vector<256xf32>
    %reduce_max3A_654 = vector.multi_reduction <maximumf>, %select_n3A_652, %reduce_max3A_653 [1] : vector<256x768xf32> to vector<256xf32>
    %broadcast_in_dim3A_655 = vector.shape_cast %reduce_max3A_654 : vector<256xf32> to vector<256x1xf32>
    %eq3A_656 = vector.broadcast %broadcast_in_dim3A_655 : vector<256x1xf32> to vector<256x768xf32>
    %eq3A_657 = arith.cmpf oeq, %select_n3A_652, %eq3A_656 : vector<256x768xf32>
    %jit3A_658 = arith.constant 768 : i32
    %broadcast_in_dim3A_659 = vector.broadcast %jit3A_658 : i32 to vector<256x768xi32>
    %select_n3A_660 = arith.select %eq3A_657, %iota3A_212, %broadcast_in_dim3A_659 : vector<256x768xi1>, vector<256x768xi32>
    %reduce_min3A_661 = arith.constant dense<2147483647> : vector<256xi32>
    %reduce_min3A_662 = vector.multi_reduction <minsi>, %select_n3A_660, %reduce_min3A_661 [1] : vector<256x768xi32> to vector<256xi32>
    %broadcast_in_dim3A_663 = vector.shape_cast %reduce_min3A_662 : vector<256xi32> to vector<256x1xi32>
    %eq3A_664 = vector.broadcast %broadcast_in_dim3A_663 : vector<256x1xi32> to vector<256x768xi32>
    %eq3A_665 = arith.cmpi eq, %iota3A_212, %eq3A_664 : vector<256x768xi32>
    %jit3A_666 = arith.constant 0 : i32
    %broadcast_in_dim3A_667 = vector.broadcast %jit3A_666 : i32 to vector<256x768xi32>
    %select_n3A_668 = arith.select %eq3A_665, %concatenate3A_211, %broadcast_in_dim3A_667 : vector<256x768xi1>, vector<256x768xi32>
    %reduce_sum3A_669 = arith.constant dense<0> : vector<256xi32>
    %reduce_sum3A_670 = vector.multi_reduction <add>, %select_n3A_668, %reduce_sum3A_669 [1] : vector<256x768xi32> to vector<256xi32>
    %broadcast_in_dim3A_671 = vector.shape_cast %reduce_sum3A_670 : vector<256xi32> to vector<256x1xi32>
    %jit3A_672 = arith.constant 0xFF800000 : f32
    %broadcast_in_dim3A_673 = vector.broadcast %jit3A_672 : f32 to vector<256x768xf32>
    %select_n3A_674 = arith.select %eq3A_665, %broadcast_in_dim3A_673, %select_n3A_652 : vector<256x768xi1>, vector<256x768xf32>
    %reduce_max3A_675 = arith.constant dense<0xFF800000> : vector<256xf32>
    %reduce_max3A_676 = vector.multi_reduction <maximumf>, %select_n3A_674, %reduce_max3A_675 [1] : vector<256x768xf32> to vector<256xf32>
    %broadcast_in_dim3A_677 = vector.shape_cast %reduce_max3A_676 : vector<256xf32> to vector<256x1xf32>
    %eq3A_678 = vector.broadcast %broadcast_in_dim3A_677 : vector<256x1xf32> to vector<256x768xf32>
    %eq3A_679 = arith.cmpf oeq, %select_n3A_674, %eq3A_678 : vector<256x768xf32>
    %jit3A_680 = arith.constant 768 : i32
    %broadcast_in_dim3A_681 = vector.broadcast %jit3A_680 : i32 to vector<256x768xi32>
    %select_n3A_682 = arith.select %eq3A_679, %iota3A_212, %broadcast_in_dim3A_681 : vector<256x768xi1>, vector<256x768xi32>
    %reduce_min3A_683 = arith.constant dense<2147483647> : vector<256xi32>
    %reduce_min3A_684 = vector.multi_reduction <minsi>, %select_n3A_682, %reduce_min3A_683 [1] : vector<256x768xi32> to vector<256xi32>
    %broadcast_in_dim3A_685 = vector.shape_cast %reduce_min3A_684 : vector<256xi32> to vector<256x1xi32>
    %eq3A_686 = vector.broadcast %broadcast_in_dim3A_685 : vector<256x1xi32> to vector<256x768xi32>
    %eq3A_687 = arith.cmpi eq, %iota3A_212, %eq3A_686 : vector<256x768xi32>
    %jit3A_688 = arith.constant 0 : i32
    %broadcast_in_dim3A_689 = vector.broadcast %jit3A_688 : i32 to vector<256x768xi32>
    %select_n3A_690 = arith.select %eq3A_687, %concatenate3A_211, %broadcast_in_dim3A_689 : vector<256x768xi1>, vector<256x768xi32>
    %reduce_sum3A_691 = arith.constant dense<0> : vector<256xi32>
    %reduce_sum3A_692 = vector.multi_reduction <add>, %select_n3A_690, %reduce_sum3A_691 [1] : vector<256x768xi32> to vector<256xi32>
    %broadcast_in_dim3A_693 = vector.shape_cast %reduce_sum3A_692 : vector<256xi32> to vector<256x1xi32>
    %jit3A_694 = arith.constant 0xFF800000 : f32
    %broadcast_in_dim3A_695 = vector.broadcast %jit3A_694 : f32 to vector<256x768xf32>
    %select_n3A_696 = arith.select %eq3A_687, %broadcast_in_dim3A_695, %select_n3A_674 : vector<256x768xi1>, vector<256x768xf32>
    %reduce_max3A_697 = arith.constant dense<0xFF800000> : vector<256xf32>
    %reduce_max3A_698 = vector.multi_reduction <maximumf>, %select_n3A_696, %reduce_max3A_697 [1] : vector<256x768xf32> to vector<256xf32>
    %broadcast_in_dim3A_699 = vector.shape_cast %reduce_max3A_698 : vector<256xf32> to vector<256x1xf32>
    %eq3A_700 = vector.broadcast %broadcast_in_dim3A_699 : vector<256x1xf32> to vector<256x768xf32>
    %eq3A_701 = arith.cmpf oeq, %select_n3A_696, %eq3A_700 : vector<256x768xf32>
    %jit3A_702 = arith.constant 768 : i32
    %broadcast_in_dim3A_703 = vector.broadcast %jit3A_702 : i32 to vector<256x768xi32>
    %select_n3A_704 = arith.select %eq3A_701, %iota3A_212, %broadcast_in_dim3A_703 : vector<256x768xi1>, vector<256x768xi32>
    %reduce_min3A_705 = arith.constant dense<2147483647> : vector<256xi32>
    %reduce_min3A_706 = vector.multi_reduction <minsi>, %select_n3A_704, %reduce_min3A_705 [1] : vector<256x768xi32> to vector<256xi32>
    %broadcast_in_dim3A_707 = vector.shape_cast %reduce_min3A_706 : vector<256xi32> to vector<256x1xi32>
    %eq3A_708 = vector.broadcast %broadcast_in_dim3A_707 : vector<256x1xi32> to vector<256x768xi32>
    %eq3A_709 = arith.cmpi eq, %iota3A_212, %eq3A_708 : vector<256x768xi32>
    %jit3A_710 = arith.constant 0 : i32
    %broadcast_in_dim3A_711 = vector.broadcast %jit3A_710 : i32 to vector<256x768xi32>
    %select_n3A_712 = arith.select %eq3A_709, %concatenate3A_211, %broadcast_in_dim3A_711 : vector<256x768xi1>, vector<256x768xi32>
    %reduce_sum3A_713 = arith.constant dense<0> : vector<256xi32>
    %reduce_sum3A_714 = vector.multi_reduction <add>, %select_n3A_712, %reduce_sum3A_713 [1] : vector<256x768xi32> to vector<256xi32>
    %broadcast_in_dim3A_715 = vector.shape_cast %reduce_sum3A_714 : vector<256xi32> to vector<256x1xi32>
    %jit3A_716 = arith.constant 0xFF800000 : f32
    %broadcast_in_dim3A_717 = vector.broadcast %jit3A_716 : f32 to vector<256x768xf32>
    %select_n3A_718 = arith.select %eq3A_709, %broadcast_in_dim3A_717, %select_n3A_696 : vector<256x768xi1>, vector<256x768xf32>
    %reduce_max3A_719 = arith.constant dense<0xFF800000> : vector<256xf32>
    %reduce_max3A_720 = vector.multi_reduction <maximumf>, %select_n3A_718, %reduce_max3A_719 [1] : vector<256x768xf32> to vector<256xf32>
    %broadcast_in_dim3A_721 = vector.shape_cast %reduce_max3A_720 : vector<256xf32> to vector<256x1xf32>
    %eq3A_722 = vector.broadcast %broadcast_in_dim3A_721 : vector<256x1xf32> to vector<256x768xf32>
    %eq3A_723 = arith.cmpf oeq, %select_n3A_718, %eq3A_722 : vector<256x768xf32>
    %jit3A_724 = arith.constant 768 : i32
    %broadcast_in_dim3A_725 = vector.broadcast %jit3A_724 : i32 to vector<256x768xi32>
    %select_n3A_726 = arith.select %eq3A_723, %iota3A_212, %broadcast_in_dim3A_725 : vector<256x768xi1>, vector<256x768xi32>
    %reduce_min3A_727 = arith.constant dense<2147483647> : vector<256xi32>
    %reduce_min3A_728 = vector.multi_reduction <minsi>, %select_n3A_726, %reduce_min3A_727 [1] : vector<256x768xi32> to vector<256xi32>
    %broadcast_in_dim3A_729 = vector.shape_cast %reduce_min3A_728 : vector<256xi32> to vector<256x1xi32>
    %eq3A_730 = vector.broadcast %broadcast_in_dim3A_729 : vector<256x1xi32> to vector<256x768xi32>
    %eq3A_731 = arith.cmpi eq, %iota3A_212, %eq3A_730 : vector<256x768xi32>
    %jit3A_732 = arith.constant 0 : i32
    %broadcast_in_dim3A_733 = vector.broadcast %jit3A_732 : i32 to vector<256x768xi32>
    %select_n3A_734 = arith.select %eq3A_731, %concatenate3A_211, %broadcast_in_dim3A_733 : vector<256x768xi1>, vector<256x768xi32>
    %reduce_sum3A_735 = arith.constant dense<0> : vector<256xi32>
    %reduce_sum3A_736 = vector.multi_reduction <add>, %select_n3A_734, %reduce_sum3A_735 [1] : vector<256x768xi32> to vector<256xi32>
    %broadcast_in_dim3A_737 = vector.shape_cast %reduce_sum3A_736 : vector<256xi32> to vector<256x1xi32>
    %jit3A_738 = arith.constant 0xFF800000 : f32
    %broadcast_in_dim3A_739 = vector.broadcast %jit3A_738 : f32 to vector<256x768xf32>
    %select_n3A_740 = arith.select %eq3A_731, %broadcast_in_dim3A_739, %select_n3A_718 : vector<256x768xi1>, vector<256x768xf32>
    %reduce_max3A_741 = arith.constant dense<0xFF800000> : vector<256xf32>
    %reduce_max3A_742 = vector.multi_reduction <maximumf>, %select_n3A_740, %reduce_max3A_741 [1] : vector<256x768xf32> to vector<256xf32>
    %broadcast_in_dim3A_743 = vector.shape_cast %reduce_max3A_742 : vector<256xf32> to vector<256x1xf32>
    %eq3A_744 = vector.broadcast %broadcast_in_dim3A_743 : vector<256x1xf32> to vector<256x768xf32>
    %eq3A_745 = arith.cmpf oeq, %select_n3A_740, %eq3A_744 : vector<256x768xf32>
    %jit3A_746 = arith.constant 768 : i32
    %broadcast_in_dim3A_747 = vector.broadcast %jit3A_746 : i32 to vector<256x768xi32>
    %select_n3A_748 = arith.select %eq3A_745, %iota3A_212, %broadcast_in_dim3A_747 : vector<256x768xi1>, vector<256x768xi32>
    %reduce_min3A_749 = arith.constant dense<2147483647> : vector<256xi32>
    %reduce_min3A_750 = vector.multi_reduction <minsi>, %select_n3A_748, %reduce_min3A_749 [1] : vector<256x768xi32> to vector<256xi32>
    %broadcast_in_dim3A_751 = vector.shape_cast %reduce_min3A_750 : vector<256xi32> to vector<256x1xi32>
    %eq3A_752 = vector.broadcast %broadcast_in_dim3A_751 : vector<256x1xi32> to vector<256x768xi32>
    %eq3A_753 = arith.cmpi eq, %iota3A_212, %eq3A_752 : vector<256x768xi32>
    %jit3A_754 = arith.constant 0 : i32
    %broadcast_in_dim3A_755 = vector.broadcast %jit3A_754 : i32 to vector<256x768xi32>
    %select_n3A_756 = arith.select %eq3A_753, %concatenate3A_211, %broadcast_in_dim3A_755 : vector<256x768xi1>, vector<256x768xi32>
    %reduce_sum3A_757 = arith.constant dense<0> : vector<256xi32>
    %reduce_sum3A_758 = vector.multi_reduction <add>, %select_n3A_756, %reduce_sum3A_757 [1] : vector<256x768xi32> to vector<256xi32>
    %broadcast_in_dim3A_759 = vector.shape_cast %reduce_sum3A_758 : vector<256xi32> to vector<256x1xi32>
    %jit3A_760 = arith.constant 0xFF800000 : f32
    %broadcast_in_dim3A_761 = vector.broadcast %jit3A_760 : f32 to vector<256x768xf32>
    %select_n3A_762 = arith.select %eq3A_753, %broadcast_in_dim3A_761, %select_n3A_740 : vector<256x768xi1>, vector<256x768xf32>
    %reduce_max3A_763 = arith.constant dense<0xFF800000> : vector<256xf32>
    %reduce_max3A_764 = vector.multi_reduction <maximumf>, %select_n3A_762, %reduce_max3A_763 [1] : vector<256x768xf32> to vector<256xf32>
    %broadcast_in_dim3A_765 = vector.shape_cast %reduce_max3A_764 : vector<256xf32> to vector<256x1xf32>
    %eq3A_766 = vector.broadcast %broadcast_in_dim3A_765 : vector<256x1xf32> to vector<256x768xf32>
    %eq3A_767 = arith.cmpf oeq, %select_n3A_762, %eq3A_766 : vector<256x768xf32>
    %jit3A_768 = arith.constant 768 : i32
    %broadcast_in_dim3A_769 = vector.broadcast %jit3A_768 : i32 to vector<256x768xi32>
    %select_n3A_770 = arith.select %eq3A_767, %iota3A_212, %broadcast_in_dim3A_769 : vector<256x768xi1>, vector<256x768xi32>
    %reduce_min3A_771 = arith.constant dense<2147483647> : vector<256xi32>
    %reduce_min3A_772 = vector.multi_reduction <minsi>, %select_n3A_770, %reduce_min3A_771 [1] : vector<256x768xi32> to vector<256xi32>
    %broadcast_in_dim3A_773 = vector.shape_cast %reduce_min3A_772 : vector<256xi32> to vector<256x1xi32>
    %eq3A_774 = vector.broadcast %broadcast_in_dim3A_773 : vector<256x1xi32> to vector<256x768xi32>
    %eq3A_775 = arith.cmpi eq, %iota3A_212, %eq3A_774 : vector<256x768xi32>
    %jit3A_776 = arith.constant 0 : i32
    %broadcast_in_dim3A_777 = vector.broadcast %jit3A_776 : i32 to vector<256x768xi32>
    %select_n3A_778 = arith.select %eq3A_775, %concatenate3A_211, %broadcast_in_dim3A_777 : vector<256x768xi1>, vector<256x768xi32>
    %reduce_sum3A_779 = arith.constant dense<0> : vector<256xi32>
    %reduce_sum3A_780 = vector.multi_reduction <add>, %select_n3A_778, %reduce_sum3A_779 [1] : vector<256x768xi32> to vector<256xi32>
    %broadcast_in_dim3A_781 = vector.shape_cast %reduce_sum3A_780 : vector<256xi32> to vector<256x1xi32>
    %jit3A_782 = arith.constant 0xFF800000 : f32
    %broadcast_in_dim3A_783 = vector.broadcast %jit3A_782 : f32 to vector<256x768xf32>
    %select_n3A_784 = arith.select %eq3A_775, %broadcast_in_dim3A_783, %select_n3A_762 : vector<256x768xi1>, vector<256x768xf32>
    %reduce_max3A_785 = arith.constant dense<0xFF800000> : vector<256xf32>
    %reduce_max3A_786 = vector.multi_reduction <maximumf>, %select_n3A_784, %reduce_max3A_785 [1] : vector<256x768xf32> to vector<256xf32>
    %broadcast_in_dim3A_787 = vector.shape_cast %reduce_max3A_786 : vector<256xf32> to vector<256x1xf32>
    %eq3A_788 = vector.broadcast %broadcast_in_dim3A_787 : vector<256x1xf32> to vector<256x768xf32>
    %eq3A_789 = arith.cmpf oeq, %select_n3A_784, %eq3A_788 : vector<256x768xf32>
    %jit3A_790 = arith.constant 768 : i32
    %broadcast_in_dim3A_791 = vector.broadcast %jit3A_790 : i32 to vector<256x768xi32>
    %select_n3A_792 = arith.select %eq3A_789, %iota3A_212, %broadcast_in_dim3A_791 : vector<256x768xi1>, vector<256x768xi32>
    %reduce_min3A_793 = arith.constant dense<2147483647> : vector<256xi32>
    %reduce_min3A_794 = vector.multi_reduction <minsi>, %select_n3A_792, %reduce_min3A_793 [1] : vector<256x768xi32> to vector<256xi32>
    %broadcast_in_dim3A_795 = vector.shape_cast %reduce_min3A_794 : vector<256xi32> to vector<256x1xi32>
    %eq3A_796 = vector.broadcast %broadcast_in_dim3A_795 : vector<256x1xi32> to vector<256x768xi32>
    %eq3A_797 = arith.cmpi eq, %iota3A_212, %eq3A_796 : vector<256x768xi32>
    %jit3A_798 = arith.constant 0 : i32
    %broadcast_in_dim3A_799 = vector.broadcast %jit3A_798 : i32 to vector<256x768xi32>
    %select_n3A_800 = arith.select %eq3A_797, %concatenate3A_211, %broadcast_in_dim3A_799 : vector<256x768xi1>, vector<256x768xi32>
    %reduce_sum3A_801 = arith.constant dense<0> : vector<256xi32>
    %reduce_sum3A_802 = vector.multi_reduction <add>, %select_n3A_800, %reduce_sum3A_801 [1] : vector<256x768xi32> to vector<256xi32>
    %broadcast_in_dim3A_803 = vector.shape_cast %reduce_sum3A_802 : vector<256xi32> to vector<256x1xi32>
    %jit3A_804 = arith.constant 0xFF800000 : f32
    %broadcast_in_dim3A_805 = vector.broadcast %jit3A_804 : f32 to vector<256x768xf32>
    %select_n3A_806 = arith.select %eq3A_797, %broadcast_in_dim3A_805, %select_n3A_784 : vector<256x768xi1>, vector<256x768xf32>
    %reduce_max3A_807 = arith.constant dense<0xFF800000> : vector<256xf32>
    %reduce_max3A_808 = vector.multi_reduction <maximumf>, %select_n3A_806, %reduce_max3A_807 [1] : vector<256x768xf32> to vector<256xf32>
    %broadcast_in_dim3A_809 = vector.shape_cast %reduce_max3A_808 : vector<256xf32> to vector<256x1xf32>
    %eq3A_810 = vector.broadcast %broadcast_in_dim3A_809 : vector<256x1xf32> to vector<256x768xf32>
    %eq3A_811 = arith.cmpf oeq, %select_n3A_806, %eq3A_810 : vector<256x768xf32>
    %jit3A_812 = arith.constant 768 : i32
    %broadcast_in_dim3A_813 = vector.broadcast %jit3A_812 : i32 to vector<256x768xi32>
    %select_n3A_814 = arith.select %eq3A_811, %iota3A_212, %broadcast_in_dim3A_813 : vector<256x768xi1>, vector<256x768xi32>
    %reduce_min3A_815 = arith.constant dense<2147483647> : vector<256xi32>
    %reduce_min3A_816 = vector.multi_reduction <minsi>, %select_n3A_814, %reduce_min3A_815 [1] : vector<256x768xi32> to vector<256xi32>
    %broadcast_in_dim3A_817 = vector.shape_cast %reduce_min3A_816 : vector<256xi32> to vector<256x1xi32>
    %eq3A_818 = vector.broadcast %broadcast_in_dim3A_817 : vector<256x1xi32> to vector<256x768xi32>
    %eq3A_819 = arith.cmpi eq, %iota3A_212, %eq3A_818 : vector<256x768xi32>
    %jit3A_820 = arith.constant 0 : i32
    %broadcast_in_dim3A_821 = vector.broadcast %jit3A_820 : i32 to vector<256x768xi32>
    %select_n3A_822 = arith.select %eq3A_819, %concatenate3A_211, %broadcast_in_dim3A_821 : vector<256x768xi1>, vector<256x768xi32>
    %reduce_sum3A_823 = arith.constant dense<0> : vector<256xi32>
    %reduce_sum3A_824 = vector.multi_reduction <add>, %select_n3A_822, %reduce_sum3A_823 [1] : vector<256x768xi32> to vector<256xi32>
    %broadcast_in_dim3A_825 = vector.shape_cast %reduce_sum3A_824 : vector<256xi32> to vector<256x1xi32>
    %concatenate3A_826 = tpu.concatenate %broadcast_in_dim3A_215, %broadcast_in_dim3A_237, %broadcast_in_dim3A_259, %broadcast_in_dim3A_281, %broadcast_in_dim3A_303, %broadcast_in_dim3A_325, %broadcast_in_dim3A_347, %broadcast_in_dim3A_369, %broadcast_in_dim3A_391, %broadcast_in_dim3A_413, %broadcast_in_dim3A_435, %broadcast_in_dim3A_457, %broadcast_in_dim3A_479, %broadcast_in_dim3A_501, %broadcast_in_dim3A_523, %broadcast_in_dim3A_545, %broadcast_in_dim3A_567, %broadcast_in_dim3A_589, %broadcast_in_dim3A_611, %broadcast_in_dim3A_633, %broadcast_in_dim3A_655, %broadcast_in_dim3A_677, %broadcast_in_dim3A_699, %broadcast_in_dim3A_721, %broadcast_in_dim3A_743, %broadcast_in_dim3A_765, %broadcast_in_dim3A_787, %broadcast_in_dim3A_809 in 1 : vector<256x1xf32>, vector<256x1xf32>, vector<256x1xf32>, vector<256x1xf32>, vector<256x1xf32>, vector<256x1xf32>, vector<256x1xf32>, vector<256x1xf32>, vector<256x1xf32>, vector<256x1xf32>, vector<256x1xf32>, vector<256x1xf32>, vector<256x1xf32>, vector<256x1xf32>, vector<256x1xf32>, vector<256x1xf32>, vector<256x1xf32>, vector<256x1xf32>, vector<256x1xf32>, vector<256x1xf32>, vector<256x1xf32>, vector<256x1xf32>, vector<256x1xf32>, vector<256x1xf32>, vector<256x1xf32>, vector<256x1xf32>, vector<256x1xf32>, vector<256x1xf32> -> vector<256x28xf32>
    %broadcast_in_dim3A_827 = vector.shape_cast %concatenate3A_826 : vector<256x28xf32> to vector<1x256x28xf32>
    %swap3A = arith.constant 0 : index
    %swap3A_828 = arith.constant 0 : index
    %swap3A_829 = arith.constant 0 : index
    %swap3A_830 = vector.load %arg5[%swap3A, %swap3A_828, %swap3A_829] : memref<1x256x28xf32, #tpu.memory_space<vmem>>, vector<1x256x28xf32>
    tpu.vector_store %arg5[%swap3A, %swap3A_828, %swap3A_829], %broadcast_in_dim3A_827 {strides = array<i32>} : memref<1x256x28xf32, #tpu.memory_space<vmem>>, vector<1x256x28xf32>,
    %concatenate3A_831 = tpu.concatenate %broadcast_in_dim3A_231, %broadcast_in_dim3A_253, %broadcast_in_dim3A_275, %broadcast_in_dim3A_297, %broadcast_in_dim3A_319, %broadcast_in_dim3A_341, %broadcast_in_dim3A_363, %broadcast_in_dim3A_385, %broadcast_in_dim3A_407, %broadcast_in_dim3A_429, %broadcast_in_dim3A_451, %broadcast_in_dim3A_473, %broadcast_in_dim3A_495, %broadcast_in_dim3A_517, %broadcast_in_dim3A_539, %broadcast_in_dim3A_561, %broadcast_in_dim3A_583, %broadcast_in_dim3A_605, %broadcast_in_dim3A_627, %broadcast_in_dim3A_649, %broadcast_in_dim3A_671, %broadcast_in_dim3A_693, %broadcast_in_dim3A_715, %broadcast_in_dim3A_737, %broadcast_in_dim3A_759, %broadcast_in_dim3A_781, %broadcast_in_dim3A_803, %broadcast_in_dim3A_825 in 1 : vector<256x1xi32>, vector<256x1xi32>, vector<256x1xi32>, vector<256x1xi32>, vector<256x1xi32>, vector<256x1xi32>, vector<256x1xi32>, vector<256x1xi32>, vector<256x1xi32>, vector<256x1xi32>, vector<256x1xi32>, vector<256x1xi32>, vector<256x1xi32>, vector<256x1xi32>, vector<256x1xi32>, vector<256x1xi32>, vector<256x1xi32>, vector<256x1xi32>, vector<256x1xi32>, vector<256x1xi32>, vector<256x1xi32>, vector<256x1xi32>, vector<256x1xi32>, vector<256x1xi32>, vector<256x1xi32>, vector<256x1xi32>, vector<256x1xi32>, vector<256x1xi32> -> vector<256x28xi32>
    %broadcast_in_dim3A_832 = vector.shape_cast %concatenate3A_831 : vector<256x28xi32> to vector<1x256x28xi32>
    %swap3A_833 = arith.constant 0 : index
    %swap3A_834 = arith.constant 0 : index
    %swap3A_835 = arith.constant 0 : index
    %swap3A_836 = vector.load %arg6[%swap3A_833, %swap3A_834, %swap3A_835] : memref<1x256x28xi32, #tpu.memory_space<vmem>>, vector<1x256x28xi32>
    tpu.vector_store %arg6[%swap3A_833, %swap3A_834, %swap3A_835], %broadcast_in_dim3A_832 {strides = array<i32>} : memref<1x256x28xi32, #tpu.memory_space<vmem>>, vector<1x256x28xi32>,
    %broadcast_in_dim3A_837 = arith.constant 0 : i32
    %broadcast_in_dim3A_838 = vector.broadcast %broadcast_in_dim3A_837 : i32 to vector<256x1xi32>
    %concatenate3A_839 = tpu.concatenate %broadcast_in_dim3A_23, %broadcast_in_dim3A_25, %broadcast_in_dim3A_838, %broadcast_in_dim3A_838, %broadcast_in_dim3A_838, %broadcast_in_dim3A_838, %broadcast_in_dim3A_838, %broadcast_in_dim3A_838, %broadcast_in_dim3A_838, %broadcast_in_dim3A_838, %broadcast_in_dim3A_838, %broadcast_in_dim3A_838, %broadcast_in_dim3A_838, %broadcast_in_dim3A_838, %broadcast_in_dim3A_838, %broadcast_in_dim3A_838, %broadcast_in_dim3A_838, %broadcast_in_dim3A_838, %broadcast_in_dim3A_838, %broadcast_in_dim3A_838, %broadcast_in_dim3A_838, %broadcast_in_dim3A_838, %broadcast_in_dim3A_838, %broadcast_in_dim3A_838, %broadcast_in_dim3A_838, %broadcast_in_dim3A_838, %broadcast_in_dim3A_838, %broadcast_in_dim3A_838 in 1 : vector<256x1xi32>, vector<256x1xi32>, vector<256x1xi32>, vector<256x1xi32>, vector<256x1xi32>, vector<256x1xi32>, vector<256x1xi32>, vector<256x1xi32>, vector<256x1xi32>, vector<256x1xi32>, vector<256x1xi32>, vector<256x1xi32>, vector<256x1xi32>, vector<256x1xi32>, vector<256x1xi32>, vector<256x1xi32>, vector<256x1xi32>, vector<256x1xi32>, vector<256x1xi32>, vector<256x1xi32>, vector<256x1xi32>, vector<256x1xi32>, vector<256x1xi32>, vector<256x1xi32>, vector<256x1xi32>, vector<256x1xi32>, vector<256x1xi32>, vector<256x1xi32> -> vector<256x28xi32>
    %broadcast_in_dim3A_840 = vector.shape_cast %concatenate3A_839 : vector<256x28xi32> to vector<1x256x28xi32>
    %swap3A_841 = arith.constant 0 : index
    %swap3A_842 = arith.constant 0 : index
    %swap3A_843 = arith.constant 0 : index
    %swap3A_844 = vector.load %arg7[%swap3A_841, %swap3A_842, %swap3A_843] : memref<1x256x28xi32, #tpu.memory_space<vmem>>, vector<1x256x28xi32>
    tpu.vector_store %arg7[%swap3A_841, %swap3A_842, %swap3A_843], %broadcast_in_dim3A_840 {strides = array<i32>} : memref<1x256x28xi32, #tpu.memory_space<vmem>>, vector<1x256x28xi32>,
    return
  }
  func.func @transform_0(%arg0: i32, %arg1: i32) -> (i32, i32) {
    %c0_i32 = arith.constant 0 : i32
    %c0_i32_0 = arith.constant 0 : i32
    return %arg0, %c0_i32 : i32, i32
  }
  func.func @transform_1(%arg0: i32, %arg1: i32) -> (i32, i32) {
    %c0_i32 = arith.constant 0 : i32
    %c0_i32_0 = arith.constant 0 : i32
    return %arg1, %c0_i32 : i32, i32
  }
  func.func @transform_2(%arg0: i32, %arg1: i32) -> (i32, i32) {
    %c0_i32 = arith.constant 0 : i32
    %c0_i32_0 = arith.constant 0 : i32
    return %arg0, %c0_i32 : i32, i32
  }
  func.func @transform_3(%arg0: i32, %arg1: i32) -> (i32, i32, i32) {
    %c0_i32 = arith.constant 0 : i32
    %c0_i32_0 = arith.constant 0 : i32
    return %arg1, %arg0, %c0_i32 : i32, i32, i32
  }
  func.func @transform_4(%arg0: i32, %arg1: i32) -> (i32, i32, i32) {
    %c0_i32 = arith.constant 0 : i32
    %c0_i32_0 = arith.constant 0 : i32
    return %arg1, %arg0, %c0_i32 : i32, i32, i32
  }
  func.func @transform_5(%arg0: i32, %arg1: i32) -> (i32, i32, i32) {
    %c0_i32 = arith.constant 0 : i32
    %c0_i32_0 = arith.constant 0 : i32
    return %arg1, %arg0, %c0_i32 : i32, i32, i32
  }
}

module attributes {stable_mosaic.version = 14 : i64} {
  func.func @_full_score_body(%arg0: i32, %arg1: i32, %arg2: memref<256x128xf32, #tpu.memory_space<vmem>>, %arg3: memref<8192x128xf32, #tpu.memory_space<vmem>>, %arg4: memref<256x8192xf32, #tpu.memory_space<vmem>>) attributes {dimension_semantics = [#tpu.dimension_semantics<arbitrary>, #tpu.dimension_semantics<arbitrary>], iteration_bounds = array<i64: 16, 13>, scalar_prefetch = 0 : i64, scratch_operands = 0 : i64, tpu.core_type = #tpu.core_type<tc>, window_params = [{transform_indices = @transform_0, window_bounds = array<i64: 256, 128>}, {transform_indices = @transform_1, window_bounds = array<i64: 8192, 128>}, {transform_indices = @transform_2, window_bounds = array<i64: 256, 8192>}]} {
    %get3A = arith.constant 0 : index
    %get3A_0 = arith.constant 0 : index
    %get3A_1 = vector.load %arg2[%get3A, %get3A_0] : memref<256x128xf32, #tpu.memory_space<vmem>>, vector<256x128xf32>
    %get3A_2 = arith.constant 0 : index
    %get3A_3 = arith.constant 0 : index
    %get3A_4 = vector.load %arg3[%get3A_2, %get3A_3] : memref<8192x128xf32, #tpu.memory_space<vmem>>, vector<8192x128xf32>
    %dot_general3A = arith.constant dense<0.000000e+00> : vector<256x8192xf32>
    %dot_general3A_5 = tpu.matmul %get3A_1, %get3A_4, %dot_general3A {dimension_numbers = #tpu.dot_dimension_numbers<[1], [1], [0], [0], [0, 0, 1, 0], [], []>, transpose_lhs_hint = false} : vector<256x128xf32>, vector<8192x128xf32>, vector<256x8192xf32> -> vector<256x8192xf32>
    %swap3A = arith.constant 0 : index
    %swap3A_6 = arith.constant 0 : index
    %swap3A_7 = vector.load %arg4[%swap3A, %swap3A_6] : memref<256x8192xf32, #tpu.memory_space<vmem>>, vector<256x8192xf32>
    tpu.vector_store %arg4[%swap3A, %swap3A_6], %dot_general3A_5 {strides = array<i32>} : memref<256x8192xf32, #tpu.memory_space<vmem>>, vector<256x8192xf32>,
    return
  }
  func.func @transform_0(%arg0: i32, %arg1: i32) -> (i32, i32) {
    %c0_i32 = arith.constant 0 : i32
    %c0_i32_0 = arith.constant 0 : i32
    return %arg0, %c0_i32 : i32, i32
  }
  func.func @transform_1(%arg0: i32, %arg1: i32) -> (i32, i32) {
    %c0_i32 = arith.constant 0 : i32
    %c0_i32_0 = arith.constant 0 : i32
    return %arg1, %c0_i32 : i32, i32
  }
  func.func @transform_2(%arg0: i32, %arg1: i32) -> (i32, i32) {
    %c0_i32 = arith.constant 0 : i32
    return %arg0, %arg1 : i32, i32
  }
}

</mosaic_0001>

<sc_bundles>
// kernel: gather_offload_async_start
scs
__scs_entry_jumppad:
0x0: {  	(pc) =	sbr.rel $0x88, $3  }
0x1: {  	(tag) =	ssettag $0x0;
	lr =	simm.s32 $0x1  }
0x2: {  	[smem:$0x3F9F] =	sst lr;
	_ =	strace $0xD0000000  }
0x3: {  	_ = 	snop  }
0x4: {  	_ = 	snop  }
0x5: {  	_ = 	snop  }
0x6: {  	_ = 	snop  }
0x7: {  	_ = 	snop  }
__scs_overlays_trampoline_lowered:
0x8: {  	[smem:$0x3FAE] =	sst s0  }
0x9: {  	[smem:$0x3FAF] =	sst s1  }
0xa: {  	[smem:$0x3FB0] =	sst s2  }
0xb: {  	[smem:$0x3FB1] =	sst s3  }
0xc: {  	[smem:$0x3FB2] =	sst s4  }
0xd: {  	[smem:$0x3FB3] =	sst s5  }
0xe: {  	[smem:$0x3FB4] =	sst s6  }
0xf: {  	[smem:$0x3FB5] =	sst s7  }
0x10: {  	[smem:$0x3FB6] =	sst s8  }
0x11: {  	[smem:$0x3FB7] =	sst s9;
	s0 =	simm.s32 @!p0 $0x0  }
0x12: {  	s1 =	sld [smem:$0x3F9D];
	s0 =	simm.s32 @p0 $0x1  }
0x13: {  	[smem:$0x3FB8] =	sst s0;
	s0 =	simm.s32 @!p1 $0x0  }
0x14: {  	s2 =	sld [smem:$0x3F9C];
	s0 =	simm.s32 @p1 $0x1  }
0x15: {  	[smem:$0x3FB9] =	sst s0;
	s0 =	simm.s32 @!p2 $0x0  }
0x16: {  	s3 =	sld [smem:$0x3FDB];
	s0 =	simm.s32 @p2 $0x1  }
0x17: {  	s4 =	simm.s32 $0x1BF5;
	[smem:$0x3FBB] =	sst s0  }
0x18: {  	s0 =	sld [smem:$0x3F9E];
	_ =	swait.ge [sflag:s4], $0x0  }
0x19: {  	s7 =	sld [smem:$0x3F9F]  }
0x1a: {  	s8 =	sadd.s32 $0xFFFFE003, lr  }
0x1b: {  	s9 =	sadd.s32 $0xFFFFFEF7, lr;
	s5 =	simm.s32 $0xFFFFFFFF;
	p2 =	slt.u32 s8, $0xFFFFF086  }
0x1c: {  	p1 =	slt.u32 s9, $0xF7A;
	s5 =	simm.s32 @!p2 $0x0  }
0x1d: {  	s5 =	simm.s32 @p1 $0x1;
	p0 =	seq.s32 s7, s2  }
0x1e: {  	s7 =	smul.u32 @!p0 $0xF7A, s2;
	p2 =	seq.s32 @!p0 s5, $0x0  }
0x1f: {  	s9 =	smul.u32 $0xF7A, s1;
	s8 =	simm.s32 @!p0 $0x1BF5;
	p2 =	por !p2, p0  }
0x20: {  	[sflag:s8] =	ssyncset.s32 @!p0 $0xFFFFF086;
	s6 =	sadd.s32 @!p0 s3, s7;
	s7 =	simm.s32 @!p0 $0x108  }
0x21: {  	s3 =	sadd.s32 s3, s9;
	s6 =	sadd.s32 @!p0 $0x88, s6;
	s7 =	simm.s32 @p2 $0x1082  }
0x22: {  	[simem:s7], [sflag:s8] =	dma.local @!p0 [hbm:s6], $0xF7A  }
0x23: {  	s9 =	sor.u32 $0xD0000000, s2;
	s6 =	simm.s32 $0x108;
	_ =	swait.ge @!p0 [sflag:s8], $0x0  }
0x24: {  	s3 =	sadd.s32 $0x88, s3;
	s6 =	simm.s32 @!p1 $0x1082;
	[sflag:s4] =	ssyncset.s32 $0xFFFFF086  }
0x25: {  	[simem:s6], [sflag:s4] =	dma.local [hbm:s3], $0xF7A  }
0x26: {  	[smem:$0x3F9F] =	sst s1;
	(tag) =	ssettag s2;
	_ =	strace s9  }
0x27: {  	s1 =	sld [smem:$0x3FAF]  }
0x28: {  	s2 =	sld [smem:$0x3FB0]  }
0x29: {  	s4 =	sld [smem:$0x3FB2]  }
0x2a: {  	p0 =	seq.s32 s5, $0x0;
	s5 =	sld [smem:$0x3FB3]  }
0x2b: {  	s6 =	sld [smem:$0x3FB4]  }
0x2c: {  	s7 =	sld [smem:$0x3FB5]  }
0x2d: {  	s3 =	simm.s32 $0x108;
	s8 =	sld [smem:$0x3FB6]  }
0x2e: {  	s3 =	simm.s32 @!p0 $0x1082;
	s9 =	sld [smem:$0x3FB7]  }
0x2f: {  	lr =	sadd.s32 s0, s3;
	s0 =	sld [smem:$0x3FAE]  }
0x30: {  	s3 =	sld [smem:$0x3FB1]  }
0x31: {  	[smem:$0x3FBA] =	sst s10  }
0x32: {  	s10 =	sld [smem:$0x3FB8];
	_ =	sdelay $0x3  }
0x33: {  	p0 =	seq.s32 s10, $0x1;
	s10 =	sld [smem:$0x3FBA];
	_ =	sdelay $0x3  }
0x34: {  	[smem:$0x3FBA] =	sst s10  }
0x35: {  	s10 =	sld [smem:$0x3FB9];
	_ =	sdelay $0x3  }
0x36: {  	p1 =	seq.s32 s10, $0x1;
	s10 =	sld [smem:$0x3FBA];
	_ =	sdelay $0x3  }
0x37: {  	[smem:$0x3FBA] =	sst s10  }
0x38: {  	s10 =	sld [smem:$0x3FBB]  }
0x39: {  	_ = 	snop;
	(pc) =	sbr.ind lr, $3  }
0x3a: {  	_ = 	snop  }
0x3b: {  	_ = 	snop  }
0x3c: {  	p2 =	seq.s32 s10, $0x1;
	s10 =	sld [smem:$0x3FBA]  }
0x3d: {  	_ =	shalt  }
0x3e: {  	_ =	shalt  }
0x3f: {  	_ =	shalt  }
0x40: {  	_ =	shalt  }
0x41: {  	_ =	shalt  }
0x42: {  	_ =	shalt  }
0x43: {  	_ =	shalt  }
0x44: {  	_ =	shalt  }
0x45: {  	_ =	shalt  }
0x46: {  	_ =	shalt  }
0x47: {  	_ =	shalt  }
0x48: {  	_ =	shalt  }
0x49: {  	_ =	shalt  }
0x4a: {  	_ =	shalt  }
0x4b: {  	_ =	shalt  }
0x4c: {  	_ =	shalt  }
0x4d: {  	_ =	shalt  }
0x4e: {  	_ =	shalt  }
0x4f: {  	_ =	shalt  }
0x50: {  	_ =	shalt  }
0x51: {  	_ =	shalt  }
0x52: {  	_ =	shalt  }
0x53: {  	_ =	shalt  }
0x54: {  	_ =	shalt  }
0x55: {  	_ =	shalt  }
0x56: {  	_ =	shalt  }
0x57: {  	_ =	shalt  }
0x58: {  	_ =	shalt  }
0x59: {  	_ =	shalt  }
0x5a: {  	_ =	shalt  }
0x5b: {  	_ =	shalt  }
0x5c: {  	_ =	shalt  }
0x5d: {  	_ =	shalt  }
0x5e: {  	_ =	shalt  }
0x5f: {  	_ =	shalt  }
0x60: {  	_ =	shalt  }
0x61: {  	_ =	shalt  }
0x62: {  	_ =	shalt  }
0x63: {  	_ =	shalt  }
0x64: {  	_ =	shalt  }
0x65: {  	_ =	shalt  }
0x66: {  	_ =	shalt  }
0x67: {  	_ =	shalt  }
0x68: {  	_ =	shalt  }
0x69: {  	_ =	shalt  }
0x6a: {  	_ =	shalt  }
0x6b: {  	_ =	shalt  }
0x6c: {  	_ =	shalt  }
0x6d: {  	_ =	shalt  }
0x6e: {  	_ =	shalt  }
0x6f: {  	_ =	shalt  }
0x70: {  	_ =	shalt  }
0x71: {  	_ =	shalt  }
0x72: {  	_ =	shalt  }
0x73: {  	_ =	shalt  }
0x74: {  	_ =	shalt  }
0x75: {  	_ =	shalt  }
0x76: {  	_ =	shalt  }
0x77: {  	_ =	shalt  }
0x78: {  	_ =	shalt  }
0x79: {  	_ =	shalt  }
0x7a: {  	_ =	shalt  }
0x7b: {  	_ =	shalt  }
0x7c: {  	_ =	shalt  }
0x7d: {  	_ =	shalt  }
0x7e: {  	_ =	shalt  }
0x7f: {  	_ =	shalt  }
0x80: {  	_ =	shalt  }
0x81: {  	_ =	shalt  }
0x82: {  	_ =	shalt  }
0x83: {  	_ =	shalt  }
0x84: {  	_ =	shalt  }
0x85: {  	_ =	shalt  }
0x86: {  	_ =	shalt  }
0x87: {  	_ =	shalt  }
.Lfunc_end0:
.L_simem_size_0:
called_computation_lowered:
.L_overlay_start_0:
0x88: {  	s2 =	sld [smem:$0x3FD9]  }
0x89: {  	s3 =	sld [smem:$0x3FFE];
	_ =	sdelay $0x1  }
0x8a: {  	s1 =	srdreg.scid  }
0x8b: {  	s0 =	sand.u32 $0x1, s1  }
0x8c: {  	s14 =	sshll.u32 s0, $0xA;
	s2 =	sadd.s32 s3, s2  }
0x8d: {  	s2 =	sadd.s32 s2, s14  }
0x8e: {  	[smem:$0x3FC6] =	sst s2  }
0x8f: {  	_ = 	snop  }
0x90: {  	s2 =	sld [smem:$0x3FD0];
	_ =	sdelay $0x2  }
0x91: {  	s15 =	simm.s32 $0xA;
	s4 =	simm.s32 $0x10  }
0x92: {  	[smem:s4], [sflag:s15] =	dma.local [hbm:s2], $0x1  }
0x93: {  	_ =	swait.eq [sflag:s15], $0x1  }
0x94: {  	[sflag:s15] =	ssyncset.done $0x0  }
0x95: {  	[sflag:s15] =	ssyncadd.s32 $0xFFFFFFFF  }
0x96: {  	s16 =	sld [smem:$0x11];
	(tm) =	ssettm $0x1  }
0x97: {  	s17 =	sld [smem:$0x3FFB];
	_ =	sdelay $0x3  }
0x98: {  	_ =	strace s17  }
0x99: {  	s3 =	sld [smem:$0x3FFC];
	_ =	sdelay $0x3  }
0x9a: {  	_ =	strace s3  }
0x9b: {  	s3 =	sld [smem:$0x3FFD];
	_ =	sdelay $0x3  }
0x9c: {  	_ =	strace s3  }
0x9d: {  	_ =	strace $0x8FFFFFFF  }
0x9e: {  	s18 =	sld [smem:$0x3FDB];
	_ =	sdelay $0x1  }
0x9f: {  	s19 =	simm.s32 $_scs_section_size  }
0xa0: {  	s5 =	simm.s32 $_size__tile_overlayer_lowered;
	s6 =	simm.s32 $_tile_overlayer_lowered  }
0xa1: {  	s22 =	simm.s32 $0x1BFF;
	s21 =	sshll.u32 s6, $0x1;
	s3 =	sadd.s32 s19, s18  }
0xa2: {  	s7 =	simm.s32 $0x0;
	s20 =	sshll.u32 s5, $0x1;
	s5 =	sadd.s32 s21, s3  }
0xa3: {  	[timem:s7], [sflag:s22] =	dma.local [hbm:s5], s20  }
0xa4: {  	_ =	swait.ge [sflag:s22], s20  }
0xa5: {  	s4 =	ssub.s32 $0x0, s20;
	[sflag:s22] =	ssyncset.done $0x0  }
0xa6: {  	[sflag:s22] =	ssyncadd.s32 s4;
	_ =	sdelay $0x1  }
0xa7: {  	s23 =	simm.s32 $0x1B8B  }
0xa8: {  	_ =	swait.ge [sflag:s23], $0x1  }
0xa9: {  	[sflag:s23] =	ssyncset.done $0x0  }
0xaa: {  	s25 =	simm.s32 $0x1B8E;
	s24 =	sld [smem:$0x3FFE];
	[sflag:s23] =	ssyncadd.s32 $0xFFFFFFFF  }
0xab: {  	s26 =	simm.s32 $execute0_lowered;
	[smem:$0x3FD2] =	sst s25  }
0xac: {  	s5 =	sshll.u32 s26, $0x1;
	_ =	strace $0x80000046;
	[dreg:$0x1] =	wrdreg $0xFFFFFFFF  }
0xad: {  	s28 =	simm.s32 $_size_execute0_lowered;
	s3 =	sadd.s32 s3, s5;
	[dreg:$0x0] =	wrdreg $0x0  }
0xae: {  	s5 =	sshll.u32 s28, $0x1;
	[dreg:$0x2] =	wrdreg s3  }
0xaf: {  	[dreg:$0x3] =	wrdreg s5  }
0xb0: {  	[dreg:$0x4] =	wrdreg $0xC0  }
0xb1: {  	_ =	task [dreg:s7], $0x5FFFF  }
0xb2: {  	[dreg:$0x1] =	wrdreg $0xFFFFFFFF  }
0xb3: {  	[dreg:$0x0] =	wrdreg $0x60  }
0xb4: {  	[dreg:$0x2] =	wrdreg s24  }
0xb5: {  	[dreg:$0x3] =	wrdreg s16  }
0xb6: {  	[dreg:$0x4] =	wrdreg $0x9  }
0xb7: {  	_ =	task.clear_ibuf [dreg:s7], $0x5FFFF;
	_ =	strace $0x90000046  }
0xb8: {  	s29 =	simm.s32 $0x9;
	_ =	strace $0x80000048  }
0xb9: {  	_ =	swait.ge [sflag:s29], $0x1  }
0xba: {  	[sflag:s29] =	ssyncadd.s32 $0xFFFFFFFF  }
0xbb: {  	_ =	strace $0x90000048  }
0xbc: {  	_ =	sfence  }
0xbd: {  	s30 =	sld [smem:$0x0];
	_ =	sdelay $0x2  }
0xbe: {  	s31 =	sshll.u32 s1, $0xD;
	s1 =	sshrl.u32 s1, $0x2  }
0xbf: {  	s3 =	sand.u32 $0x4000, s31;
	s1 =	sadd.s32 s1, s30  }
0xc0: {  	s0 =	sor.u32 s3, s0;
	s1 =	sshll.u32 s1, $0x11  }
0xc1: {  	s0 =	sor.u32 s1, s0  }
0xc2: {  	s0 =	sadd.s32 $0x8F2B, s0  }
0xc3: {  	[sflag:s0] =	ssyncadd.remote.s32 $0x1  }
0xc4: {  	_ =	sfence.sel $0xFFFF  }
0xc5: {  	[dreg:$0x0] =	wrdreg $0xFFFFFFFF;
	(pc) =	sbr.abs _section_cstart, $3  }
0xc6: {  	[dreg:$0x1] =	wrdreg $0xFFFFFFFF  }
0xc7: {  	_ =	task.clear_ibuf [dreg:s7], $0x2FFFF;
	_ =	strace $0x9FFFFFFF  }
0xc8: {  	(tm) =	ssettm $0x7FFFFFFF  }
0xc9: {  	_ =	shalt  }
tec
execute0_lowered:
.L_overlay_start_1:
0x0: {  	(tag) =	ssettag $0x1  }
0x1: {  	s8 =	rddreg [dreg:$0x0]  }
0x2: {  	s2 =	rddreg [dreg:$0x1]  }
0x3: {  	s1 =	stileid.u32;
	s3 =	srdreg.scid  }
0x4: {  	s0 =	rddreg [dreg:$0x2];
	_ =	strace $0x80000047;
	s5 =	simm.s32 $0x1  }
0x5: {  	s9 =	simm.s32 $0x1;
	s3 =	sand.u32 $0x1, s3;
	s4 =	sshll.u32 s1, $0x1  }
0x6: {  	s10 =	simm.s32 $0x3;
	s13 =	simm.s32 $0x0;
	s6 =	sor.u32 s4, s3  }
0x7: {  	s12 =	simm.s32 $0x0;
	[sflag:s5] =	ssyncpa.u1 $0x0;
	s4 =	smul.u32 $0x2800, s6  }
0x8: {  	s3 =	sadd.s32 $0x1D4200, s8;
	p0 =	slt.u32 s6, $0x9;
	s6 =	simm.s32 $0x50000  }
.Ltmp0:
0x9: {  	s6 =	simm.s32 @!p0 $0x0;
	s7 =	ssub.s32 $0x64000, s4;
	(pc) =	sbr.rel .LBB2_1-.Ltmp0, $4  }
0xa: {  	s9 =	simm.s32 @!p0 $0x0;
	p0 =	sne.s32 s7, s6;
	s7 =	simm.s32 $0x1  }
0xb: {  	s8 =	sadd.s32 $0x212200, s8;
	s6 =	simm.s32 $0x2;
	s7 =	simm.s32 @!p0 $0x0  }
0xc: {  	s11 =	smov.u32 s4;
	[sflag:s6] =	ssyncpa.u1 $0x0;
	s7 =	sadd.s32 s9, s7  }
0xd: {  	vm0 =	vmmov $0xffff;
	[sflag:s10] =	ssyncpa.u1 $0x0;
	s10 =	simm.s32 $0x0;
	s9 =	sadd.s32 $0x1, s7  }
.LBB2_4:
0xe: {  	vm1 =	veq.s32 v0, $0x80000000;
	v63 =	vand.u32 $0xFFF, v0;
	v2 =	vand.u32 $0x1FF, v2  }
0xf: {  	v0 =	vsel vm1, $0xFFFFFFFF, v63;
	v2 =	vsel vm1, $0xFFFFFFFF, v2  }
0x10: {  	v3 =	vshll.u32 v2, $0xC;
	v4 =	vshll.u32 v0, $0x3  }
0x11: {  	v2 =	vshll.u32 v2, $0x7;
	v3 =	vand.u32 $0xFFFF8000, v3;
	v4 =	vand.u32 $0xFFFFFC00, v4  }
0x12: {  	v2 =	vand.u32 $0x380, v2;
	v3 =	vadd.s32 v4, v3  }
0x13: {  	v0 =	vand.u32 $0x7F, v0;
	v2 =	vor.u32 v2, v3  }
0x14: {  	v0 =	vor.u32 v0, v2;
	_ =	sdelay $0x1  }
0x15: {  	(ifvalue) =	ssetifvalue $0x7FFFFFFF;
	s15 =	sadd.s32 $0x10, s15  }
0x16: {  	[tilespmem:s15], [sflag:$0x1] =	stream.indirect_vreg.gather [hbm4b:s3+s10], $0x1, v1, vm0, $0x4038;
	[tilespmem:$0xA000] =	vst v63  }
0x17: {  	(ifvalue) =	ssetifvalue $0x7FFFFFFF;
	s15 =	sadd.s32 $0x10, s15  }
0x18: {  	[tilespmem:s15], [sflag:$0x1] =	stream.indirect_vreg.gather [hbm4b:s3+s10], $0x1, v0, vm0, $0x4038;
	[tilespmem:$0xA000] =	vst v63  }
0x19: {  	_ =	swait.ge [sflag:s5], $0x2800  }
0x1a: {  	s30 =	sshrl.u32 s13, $0x3;
	[sflag:s5] =	ssyncset.done $0x0  }
0x1b: {  	s31 =	sand.u32 $0x7, s13;
	s15 =	sadd.s32 s8, s30;
	[sflag:s5] =	ssyncadd.s32 $0xFFFFD800  }
0x1c: {  	[hbm4b:s15+s31] =	stream.linear.scatter [tilespmem:s14], [sflag:$0x3], $0x2800, $0x38;
	[tilespmem:$0xA000] =	vst v63  }
.LBB2_5:
0x1d: {  	s15 =	sadd.s32 $0x50000, s11  }
0x1e: {  	p1 =	sgt.s32 s15, $0x63FFF  }
0x1f: {  	s15 =	smov.u32 @p1 s4;
	p1 =	sne.s32 s12, s9  }
.Ltmp1:
0x20: {  	p0 =	slt.u32 s12, $0x2;
	(pc) =	sbr.rel @!p1 .LBB2_6-.Ltmp1, $4  }
0x21: {  	s14 =	simm.s32 @!p0 $0x3  }
0x22: {  	_ =	swait.ge @!p0 [sflag:s14], $0x2800  }
0x23: {  	s16 =	sadd.s32 $0x1, s12;
	s13 =	smov.u32 s11;
	[sflag:s14] =	ssyncset.done @!p0 $0x0  }
0x24: {  	s12 =	smov.u32 s16;
	s11 =	smov.u32 s15;
	[sflag:s14] =	ssyncadd.s32 @!p0 $0xFFFFD800  }
.LBB2_1:
0x25: {  	p0 =	sge.u32 s12, s7  }
0x26: {  	s14 =	sxor.u32 @!p0 $0x1, s12  }
0x27: {  	s14 =	smul.u32 @!p0 $0xA000, s14  }
0x28: {  	s31 =	sadd.s32 $0xFFFFFFFF, s12;
	s15 =	sshrl.u32 @!p0 s11, $0x3  }
0x29: {  	s16 =	sand.u32 @!p0 $0x7, s11;
	s15 =	sadd.s32 @!p0 s2, s15;
	s14 =	sshra.s32 @!p0 s14, $0x2  }
0x2a: {  	[tilespmem:s14], [sflag:$0x2] =	stream.linear.gather @!p0 [hbm4b:s15+s16], $0x2800, $0x38;
	[tilespmem:$0xA000] =	vst v63  }
0x2b: {  	p0 =	sge.u32 s31, s7  }
.Ltmp2:
0x2c: {  	_ = 	snop;
	(pc) =	sbr.rel @p0 .LBB2_5-.Ltmp2, $1  }
0x2d: {  	_ =	sdelay $0x3  }
0x2e: {  	s14 =	sand.u32 $0x1, s12  }
0x2f: {  	_ =	swait.ge [sflag:s6], $0x2800;
	p0 =	seq.s32 s14, $0x1;
	s14 =	simm.s32 $0x2800  }
0x30: {  	[sflag:s6] =	ssyncset.done $0x0;
	s14 =	simm.s32 @!p0 $0x0  }
0x31: {  	[sflag:s6] =	ssyncadd.s32 $0xFFFFD800;
	(ifvalue) =	ssetifvalue $0x7FFFFFFF;
	v0 =	vld.msk [tilespmem:s14+$0x0 ss:$0x1], $0xffff;
	_ =	sdelay $0x4  }
0x32: {  	s15 =	sadd.s32 $0x10, s14;
	v1 =	vshrl.u32 v0, $0xC  }
0x33: {  	v2 =	vld.msk [tilespmem:s15+$0x0 ss:$0x1], $0xffff;
	vm1 =	veq.s32 v0, $0x80000000;
	v0 =	vand.u32 $0xFFF, v0;
	v1 =	vand.u32 $0x1FF, v1  }
0x34: {  	v0 =	vsel vm1, $0xFFFFFFFF, v0;
	v1 =	vsel vm1, $0xFFFFFFFF, v1  }
0x35: {  	v4 =	vshll.u32 v0, $0x3;
	v3 =	vshll.u32 v1, $0xC  }
0x36: {  	v4 =	vand.u32 $0xFFFFFC00, v4;
	v1 =	vshll.u32 v1, $0x7;
	v3 =	vand.u32 $0xFFFF8000, v3  }
0x37: {  	v0 =	vand.u32 $0x7F, v0;
	v1 =	vand.u32 $0x380, v1;
	v3 =	vadd.s32 v4, v3  }
0x38: {  	vm1 =	veq.s32 v2, $0x80000000;
	v1 =	vor.u32 v1, v3;
	v3 =	vshrl.u32 v2, $0xC  }
0x39: {  	s15 =	sadd.s32 $0x10, s15;
	v2 =	vand.u32 $0xFFF, v2;
	v1 =	vor.u32 v0, v1;
	v3 =	vand.u32 $0x1FF, v3  }
0x3a: {  	v0 =	vld.msk [tilespmem:s15+$0x0 ss:$0x1], $0xffff;
	v2 =	vsel vm1, $0xFFFFFFFF, v2;
	v3 =	vsel vm1, $0xFFFFFFFF, v3  }
0x3b: {  	v5 =	vshll.u32 v2, $0x3;
	v63 =	vshll.u32 v3, $0xC  }
0x3c: {  	v5 =	vand.u32 $0xFFFFFC00, v5;
	v3 =	vshll.u32 v3, $0x7;
	v4 =	vand.u32 $0xFFFF8000, v63  }
0x3d: {  	s14 =	sor.u32 $0x5000, s14;
	(ifvalue) =	ssetifvalue $0x7FFFFFFF;
	v3 =	vand.u32 $0x380, v3;
	v4 =	vadd.s32 v5, v4  }
0x3e: {  	[tilespmem:s14], [sflag:$0x1] =	stream.indirect_vreg.gather [hbm4b:s3+s10], $0x1, v1, vm0, $0x4038;
	v1 =	vand.u32 $0x7F, v2;
	v3 =	vor.u32 v3, v4;
	[tilespmem:$0xA000] =	vst v63  }
0x3f: {  	s16 =	simm.s32 $0x20;
	s17 =	sadd.s32 $0x10, s15;
	s15 =	smov.u32 s14;
	v2 =	vshrl.u32 v0, $0xC;
	v1 =	vor.u32 v1, v3  }
.LBB2_3:
0x40: {  	s16 =	sadd.s32 $0x10, s16;
	vm1 =	veq.s32 v0, $0x80000000;
	v3 =	vand.u32 $0xFFF, v0;
	v0 =	vld.msk [tilespmem:s17+$0x0 ss:$0x1], $0xffff;
	v2 =	vand.u32 $0x1FF, v2  }
0x41: {  	p0 =	slt.u32 s16, $0x27F0;
	v3 =	vsel vm1, $0xFFFFFFFF, v3;
	v2 =	vsel vm1, $0xFFFFFFFF, v2  }
.Ltmp3:
0x42: {  	v4 =	vshll.u32 v2, $0xC;
	v5 =	vshll.u32 v3, $0x3;
	(pc) =	sbr.rel @p0 .LBB2_3-.Ltmp3, $4  }
0x43: {  	s15 =	sadd.s32 $0x10, s15;
	v2 =	vshll.u32 v2, $0x7;
	v4 =	vand.u32 $0xFFFF8000, v4;
	v5 =	vand.u32 $0xFFFFFC00, v5;
	(ifvalue) =	ssetifvalue $0x7FFFFFFF  }
0x44: {  	v2 =	vand.u32 $0x380, v2;
	v4 =	vadd.s32 v5, v4;
	[tilespmem:s15], [sflag:$0x1] =	stream.indirect_vreg.gather [hbm4b:s3+s10], $0x1, v1, vm0, $0x4038;
	[tilespmem:$0xA000] =	vst v63  }
0x45: {  	v1 =	vand.u32 $0x7F, v3;
	v3 =	vor.u32 v2, v4  }
0x46: {  	s17 =	sadd.s32 $0x10, s17;
	v2 =	vshrl.u32 v0, $0xC;
	v1 =	vor.u32 v1, v3  }
.Ltmp4:
0x47: {  	_ = 	snop;
	(pc) =	sbr.rel .LBB2_4-.Ltmp4, $1  }
0x48: {  	_ =	sdelay $0x3  }
.LBB2_6:
0x49: {  	_ =	sfence.sel $0x180000  }
0x4a: {  	s2 =	simm.s32 $0x2;
	[bflag:$0x0] =	sbarrier.arrive $0xFFFF  }
0x4b: {  	s30 =	simm.s32 $0x3;
	[sflag:s2] =	ssyncpa.u1 $0x1  }
0x4c: {  	s31 =	simm.s32 $0x1;
	[sflag:s30] =	ssyncpa.u1 $0x1  }
0x4d: {  	[sflag:s31] =	ssyncpa.u1 $0x1  }
0x4e: {  	p0 =	sne.s32 s1, $0x0;
	_ =	strace $0x90000047  }
0x4f: {  	s0 =	sadd.s32 @!p0 $0x100000, s0;
	[bflag:$0x2] =	sbarrier.arrive $0xFFFF  }
0x50: {  	[sflag:s0] =	ssyncadd.tile.s32 @!p0 $0x1;
	_ =	shalt  }
.Lfunc_end2:
_tile_overlayer_lowered:
.L_overlay_start_2:
0x51: {  	(tag) =	ssettag $0x2  }
0x52: {  	s0 =	rddreg [dreg:$0x0];
	s2 =	stileid.u32  }
0x53: {  	s1 =	rddreg [dreg:$0x1];
	p0 =	sne.s32 s2, $0x0  }
0x54: {  	s3 =	rddreg [dreg:$0x2];
	[bflag:$0x3] =	sbarrier.arrive $0xFFFF;
	s2 =	simm.s32 @!p0 $0x1C01  }
0x55: {  	[timem:s3], [sflag:s2] =	dma.local @!p0 [hbm:s0], s1  }
0x56: {  	s0 =	simm.s32 @!p0 $0x1  }
0x57: {  	_ =	swait.ge @!p0 [sflag:s0], s1  }
0x58: {  	s1 =	ssub.s32 @!p0 $0x0, s1;
	[sflag:s0] =	ssyncset.done @!p0 $0x0  }
0x59: {  	[sflag:s0] =	ssyncadd.s32 @!p0 s1  }
0x5a: {  	[bflag:$0x3] =	sbarrier.arrive $0xFFFF  }
0x5b: {  	_ =	shalt  }

</sc_bundles>
